<compile_context>
chip_gen: v7x
topology: tpu7x:2x2x1
jax: 0.10.2.dev20260603
libtpu: 0.0.44.dev20260713+nightly
codegen_flags: <defaults>
</compile_context>

<pallas_src>
import functools

import jax
import jax.numpy as jnp
from jax import lax
from jax.experimental import pallas as pl
from jax.experimental.pallas import tpu as pltpu
from jax.experimental.pallas import tpu_sc as plsc

N = 10000
E = 320000
D = 128

NC = 2
NS = 16
NW = NC * NS
N_PAD = 10240
K = 80
EPW = E // NW
CPW = EPW // K
ROWS_PER_TILE = N_PAD // NS
L = 16


def _sc_segment_sum(feat, edge4d, zeros_blk):
  mesh = plsc.VectorSubcoreMesh(
      core_axis_name="c", subcore_axis_name="s",
      num_cores=NC, num_subcores=NS)

  @functools.partial(
      pl.kernel,
      out_type=(jax.ShapeDtypeStruct((2 * NC, N_PAD, D), jnp.bfloat16),
                jax.ShapeDtypeStruct((NW, N_PAD), jnp.float32)),
      mesh=mesh,
      scratch_types=[
          pltpu.MemorySpace.VMEM_SHARED((N_PAD, D), jnp.bfloat16),
          pltpu.MemorySpace.VMEM_SHARED((N_PAD, D), jnp.bfloat16),
          pltpu.VMEM((CPW, K), jnp.int32),
          pltpu.VMEM((CPW, K), jnp.int32),
          pltpu.VMEM((3, K, D), jnp.bfloat16),
          pltpu.VMEM((N_PAD,), jnp.float32),
          pltpu.SemaphoreType.DMA,
          pltpu.SemaphoreType.DMA,
          pltpu.SemaphoreType.DMA,
          pltpu.SemaphoreType.DMA,
          pltpu.SemaphoreType.DMA,
          pltpu.SemaphoreType.DMA,
      ],
      compiler_params=pltpu.CompilerParams(
          use_tc_tiling_on_sc=False, needs_layout_passes=False),
  )
  def k(feat_hbm, edge_hbm, zeros_hbm, hp_hbm, dp_hbm,
        h_sha, h_shb, idx_src, idx_dst, rows, deg,
        gs0, gs1, gs2, ss0, ss1, ss2):
    gsem = (gs0, gs1, gs2)
    ssem = (ss0, ss1, ss2)
    accs = (h_sha, h_shb)
    c = lax.axis_index("c")
    s = lax.axis_index("s")
    wid = c * NS + s

    zvec = jnp.zeros((L,), jnp.float32)

    def zero_deg(i, carry):
      deg[pl.ds(i * L, L)] = zvec
      return carry

    lax.fori_loop(0, N_PAD // L, zero_deg, 0, unroll=False)
    pltpu.sync_copy(zeros_hbm, rows.at[0])
    rbase = s * ROWS_PER_TILE
    for acc in accs:
      for z in range(ROWS_PER_TILE // K):
        pltpu.sync_copy(rows.at[0], acc.at[pl.ds(rbase + z * K, K)])
    plsc.subcore_barrier()

    ones_v = jnp.ones((L,), jnp.float32)

    def deg_accum(j):
      def dstep(i, carry):
        idx = idx_dst[j, pl.ds(i * L, L)]
        plsc.addupdate_scatter(deg, [idx], ones_v)
        return carry

      lax.fori_loop(0, K // L, dstep, 0, unroll=False)

    def gather(t, b):
      pltpu.async_copy(feat_hbm.at[idx_src.at[t]], rows.at[b], gsem[b])

    def wait_gather(t, b):
      pltpu.make_async_copy(
          feat_hbm.at[idx_src.at[t]], rows.at[b], gsem[b]).wait()

    def scatter(t, b, a):
      pltpu.async_copy(
          rows.at[b], accs[a].at[idx_dst.at[t]], ssem[b], add=True)

    def wait_scatter(t, b, a):
      pltpu.make_async_copy(
          rows.at[b], accs[a].at[idx_dst.at[t]], ssem[b]).wait()

    ci = pltpu.async_copy(edge_hbm.at[0, wid], idx_src, gs0)
    cj = pltpu.async_copy(edge_hbm.at[1, wid], idx_dst, gs1)
    ci.wait()
    cj.wait()

    NMAIN = (CPW - 5) // 6
    for b in range(3):
      gather(b, b)

    def step(j, carry2):
      t0 = 6 * j
      for half in range(2):
        for b in range(3):
          t = t0 + 3 * half + b
          wait_gather(t, b)
          scatter(t, b, (3 * half + b) % 2)
          deg_accum(t)
        for b in range(3):
          t = t0 + 3 * half + b
          wait_scatter(t, b, (3 * half + b) % 2)
          gather(t + 3, b)
      return carry2

    lax.fori_loop(0, NMAIN, step, 0, unroll=False)
    t1 = 6 * NMAIN
    for t in range(t1, t1 + 3):
      wait_gather(t, t % 3)
      scatter(t, t % 3, t % 2)
      deg_accum(t)
    for t in range(t1 + 3, CPW):
      b = t % 3
      wait_scatter(t - 3, b, (t - 3) % 2)
      gather(t, b)
      wait_gather(t, b)
      scatter(t, b, t % 2)
      deg_accum(t)
    for t in range(CPW - 3, CPW):
      wait_scatter(t, t % 3, t % 2)
    pltpu.sync_copy(deg, dp_hbm.at[wid])
    plsc.subcore_barrier()

    for a in range(2):
      pltpu.sync_copy(accs[a].at[pl.ds(rbase, ROWS_PER_TILE)],
                      hp_hbm.at[2 * c + a, pl.ds(rbase, ROWS_PER_TILE)])

  return k(feat, edge4d, zeros_blk)


def _tc_body(hp_ref, dp_ref, w_ref, o_ref):
  hp = hp_ref[...].astype(jnp.float32)
  h = (hp[0] + hp[1]) + (hp[2] + hp[3])
  y = jnp.dot(h, w_ref[...], preferred_element_type=jnp.float32)
  deg = jnp.sum(dp_ref[...].T, axis=1, keepdims=True)
  norm = lax.rsqrt(jnp.maximum(deg, 1.0))
  o_ref[...] = y * norm


def _tc_matmul_norm(hp, dp, W):
  BM = 1024
  grid = (N_PAD // BM,)
  return pl.pallas_call(
      _tc_body,
      grid=grid,
      in_specs=[
          pl.BlockSpec((2 * NC, BM, D), lambda i: (0, i, 0)),
          pl.BlockSpec((NW, BM), lambda i: (0, i)),
          pl.BlockSpec((D, D), lambda i: (0, 0)),
      ],
      out_specs=pl.BlockSpec((BM, D), lambda i: (i, 0)),
      out_shape=jax.ShapeDtypeStruct((N, D), jnp.float32),
  )(hp, dp, W)


def kernel(feat, edge_index, W):
  edge4d = edge_index.reshape(2, NW, CPW, K)
  zeros_blk = jnp.zeros((K, D), jnp.bfloat16)
  hp, dp = _sc_segment_sum(feat.astype(jnp.bfloat16), edge4d, zeros_blk)
  return _tc_matmul_norm(hp, dp, W)

# --- scband reference (transcript-rebuilt; emitter-appended) ---
"""Pipeline reference for scband-graph-conv-20615843020934 (READ-ONLY COPY).

The authoritative reference and input builder live on the scoring server;
editing this copy changes nothing except your own understanding.
"""

import jax, jax.numpy as jnp
import numpy as np

N = 10000
E = 320000
D = 128

def setup_inputs(seed: int = 0):
    key = jax.random.key(seed)
    k1, k2, k3 = jax.random.split(key, 3)
    feat = jax.random.normal(k1, (N, D), dtype=jnp.float32)
    edge_index = jax.random.randint(k2, (2, E), 0, N, dtype=jnp.int32)
    limit = float(np.sqrt(6.0 / (D + D)))
    W = jax.random.uniform(k3, (D, D), dtype=jnp.float32, minval=-limit, maxval=limit)
    return {"feat": feat, "edge_index": edge_index, "W": W}

def reference(feat, edge_index, W):
    # GraphConv with norm='both', in_feats == out_feats (not >), activation=None.
    # Code path taken: aggregate copy_u+sum first, then matmul with weight,
    # then multiply by in-degree^{-1/2} norm. (The out-degree norm computed at
    # the top of the torch forward is unused on this branch, faithfully.)
    src = edge_index[0]
    dst = edge_index[1]
    n = feat.shape[0]
    # message passing: m = h[src]; h_dst = sum over incoming edges
    h = jnp.zeros_like(feat).at[dst].add(feat[src])
    rst = jnp.matmul(h, W)
    # dst normalization: in_degrees clamped to min 1, power -0.5
    deg_in = jnp.zeros((n,), dtype=jnp.float32).at[dst].add(1.0)
    deg_in = jnp.clip(deg_in, 1.0, None)
    norm = jnp.power(deg_in, -0.5)
    rst = rst * norm[:, None]
    return rst

if __name__ == "__main__":
    import jax
    _d = setup_inputs()
    print(jax.jit(kernel)(*tuple(_d.values())))

</pallas_src>

<mosaic_0001>
#map = affine_map<(d0, d1) -> (0, 0)>
#map1 = affine_map<(d0, d1) -> (0, 0, 0, 0)>
#map2 = affine_map<(d0, d1) -> (0, 0, 0)>
module attributes {stable_mosaic.version = 14 : i64} {
  func.func @k(%arg0: i32, %arg1: i32, %arg2: memref<10000x128xbf16, #tpu.memory_space<hbm>>, %arg3: memref<2x32x125x80xi32, #tpu.memory_space<hbm>>, %arg4: memref<80x128xbf16, #tpu.memory_space<hbm>>, %arg5: memref<4x10240x128xbf16, #tpu.memory_space<hbm>>, %arg6: memref<32x10240xf32, #tpu.memory_space<hbm>>, %arg7: memref<10240x128xbf16, #tpu.memory_space<vmem_shared>>, %arg8: memref<10240x128xbf16, #tpu.memory_space<vmem_shared>>, %arg9: memref<125x80xi32, #tpu.memory_space<vmem>>, %arg10: memref<125x80xi32, #tpu.memory_space<vmem>>, %arg11: memref<3x80x128xbf16, #tpu.memory_space<vmem>>, %arg12: memref<10240xf32, #tpu.memory_space<vmem>>, %arg13: memref<!tpu.dma_semaphore, #tpu.memory_space<semaphore_mem>>, %arg14: memref<!tpu.dma_semaphore, #tpu.memory_space<semaphore_mem>>, %arg15: memref<!tpu.dma_semaphore, #tpu.memory_space<semaphore_mem>>, %arg16: memref<!tpu.dma_semaphore, #tpu.memory_space<semaphore_mem>>, %arg17: memref<!tpu.dma_semaphore, #tpu.memory_space<semaphore_mem>>, %arg18: memref<!tpu.dma_semaphore, #tpu.memory_space<semaphore_mem>>) attributes {dimension_semantics = [#tpu.dimension_semantics<core_parallel>, #tpu.dimension_semantics<subcore_parallel>], iteration_bounds = array<i64: 2, 16>, scalar_prefetch = 0 : i64, scratch_operands = 12 : i64, tpu.core_type = #tpu.core_type<sc_vector_subcore>, window_params = [{transform_indices = #map}, {transform_indices = #map1}, {transform_indices = #map}, {transform_indices = #map2}, {transform_indices = #map}]} {
    %mul3A = arith.constant 16 : i32
    %mul3A_0 = arith.muli %arg0, %mul3A : i32
    %add3A = arith.addi %mul3A_0, %arg1 : i32
    %broadcast_in_dim3A = arith.constant 0.000000e+00 : f32
    %broadcast_in_dim3A_1 = vector.broadcast %broadcast_in_dim3A : f32 to vector<16xf32>
    %scan3A = arith.constant 0 : i32
    %scan3A_2 = arith.constant 0 : i32
    %scan3A_3 = arith.constant 640 : i32
    %scan3A_4 = arith.addi %scan3A_2, %scan3A_3 : i32
    %scan3A_5 = arith.constant 1 : i32
    scf.for %scan3A_378 = %scan3A_2 to %scan3A_4 step %scan3A_5  : i32 {
      %mul3A_379 = arith.constant 16 : i32
      %mul3A_380 = arith.muli %scan3A_378, %mul3A_379 : i32
      %swap3A = arith.index_cast %mul3A_380 : i32 to index
      %swap3A_381 = tpu.vector_load %arg12[%swap3A] {strides = array<i32>} : memref<10240xf32, #tpu.memory_space<vmem>>, vector<16xf32>,
      tpu.vector_store %arg12[%swap3A], %broadcast_in_dim3A_1 {strides = array<i32>} : memref<10240xf32, #tpu.memory_space<vmem>>, vector<16xf32>,
    }
    %scan3A_6 = arith.constant 640 : i32
    %run_scoped3A = arith.constant 0 : i32
    "tpu.region"() ({
      %run_scoped3A_378 = tpu.sem_alloc : memref<!tpu.dma_semaphore, #tpu.memory_space<semaphore_mem>>
      %dma_start3A_379 = arith.constant 0 : i32
      %dma_start3A_380 = arith.constant 0 : i32
      %dma_start3A_381 = tpu.memref_slice %arg11[%run_scoped3A, %dma_start3A_379, %dma_start3A_380] : memref<3x80x128xbf16, #tpu.memory_space<vmem>> -> memref<1x80x128xbf16, #tpu.memory_space<vmem>>
      %dma_start3A_382 = tpu.memref_squeeze %dma_start3A_381 : memref<1x80x128xbf16, #tpu.memory_space<vmem>> -> memref<80x128xbf16, #tpu.memory_space<vmem>>
      %dma_start3A_383 = arith.constant 0 : i32
      %dma_start3A_384 = arith.constant 0 : i32
      %dma_start3A_385 = tpu.memref_slice %arg11[%run_scoped3A, %dma_start3A_383, %dma_start3A_384] : memref<3x80x128xbf16, #tpu.memory_space<vmem>> -> memref<1x80x128xbf16, #tpu.memory_space<vmem>>
      %dma_start3A_386 = tpu.memref_squeeze %dma_start3A_385 : memref<1x80x128xbf16, #tpu.memory_space<vmem>> -> memref<80x128xbf16, #tpu.memory_space<vmem>>
      tpu.enqueue_dma source(%arg4 : memref<80x128xbf16, #tpu.memory_space<hbm>>) target(%dma_start3A_386 : memref<80x128xbf16, #tpu.memory_space<vmem>>) target_semaphore(%run_scoped3A_378 : memref<!tpu.dma_semaphore, #tpu.memory_space<semaphore_mem>>)
      %dma_wait3A_387 = arith.constant 0 : i32
      %dma_wait3A_388 = arith.constant 0 : i32
      %dma_wait3A_389 = tpu.memref_slice %arg11[%run_scoped3A, %dma_wait3A_387, %dma_wait3A_388] : memref<3x80x128xbf16, #tpu.memory_space<vmem>> -> memref<1x80x128xbf16, #tpu.memory_space<vmem>>
      %dma_wait3A_390 = tpu.memref_squeeze %dma_wait3A_389 : memref<1x80x128xbf16, #tpu.memory_space<vmem>> -> memref<80x128xbf16, #tpu.memory_space<vmem>>
      %dma_wait3A_391 = arith.constant 0 : i32
      %dma_wait3A_392 = arith.constant 0 : i32
      %dma_wait3A_393 = tpu.memref_slice %arg11[%run_scoped3A, %dma_wait3A_391, %dma_wait3A_392] : memref<3x80x128xbf16, #tpu.memory_space<vmem>> -> memref<1x80x128xbf16, #tpu.memory_space<vmem>>
      %dma_wait3A_394 = tpu.memref_squeeze %dma_wait3A_393 : memref<1x80x128xbf16, #tpu.memory_space<vmem>> -> memref<80x128xbf16, #tpu.memory_space<vmem>>
      tpu.wait_dma2 semaphore(%run_scoped3A_378 : memref<!tpu.dma_semaphore, #tpu.memory_space<semaphore_mem>>) src(%arg4 : memref<80x128xbf16, #tpu.memory_space<hbm>>) dst(%dma_wait3A_394 : memref<80x128xbf16, #tpu.memory_space<vmem>>)
      tpu.yield
    }) : () -> ()
    %mul3A_7 = arith.constant 640 : i32
    %mul3A_8 = arith.muli %arg1, %mul3A_7 : i32
    %add3A_9 = arith.constant 0 : i32
    %add3A_10 = arith.addi %mul3A_8, %add3A_9 : i32
    %run_scoped3A_11 = arith.constant 0 : i32
    "tpu.region"() ({
      %run_scoped3A_378 = tpu.sem_alloc : memref<!tpu.dma_semaphore, #tpu.memory_space<semaphore_mem>>
      %dma_start3A_379 = arith.constant 0 : i32
      %dma_start3A_380 = arith.constant 0 : i32
      %dma_start3A_381 = tpu.memref_slice %arg11[%run_scoped3A_11, %dma_start3A_379, %dma_start3A_380] : memref<3x80x128xbf16, #tpu.memory_space<vmem>> -> memref<1x80x128xbf16, #tpu.memory_space<vmem>>
      %dma_start3A_382 = tpu.memref_squeeze %dma_start3A_381 : memref<1x80x128xbf16, #tpu.memory_space<vmem>> -> memref<80x128xbf16, #tpu.memory_space<vmem>>
      %dma_start3A_383 = arith.constant 0 : i32
      %dma_start3A_384 = tpu.memref_slice %arg7[%add3A_10, %dma_start3A_383] : memref<10240x128xbf16, #tpu.memory_space<vmem_shared>> -> memref<80x128xbf16, #tpu.memory_space<vmem_shared>>
      %dma_start3A_385 = arith.constant 0 : i32
      %dma_start3A_386 = tpu.memref_slice %arg7[%add3A_10, %dma_start3A_385] : memref<10240x128xbf16, #tpu.memory_space<vmem_shared>> -> memref<80x128xbf16, #tpu.memory_space<vmem_shared>>
      %dma_start3A_387 = arith.constant 0 : i32
      %dma_start3A_388 = arith.constant 0 : i32
      %dma_start3A_389 = tpu.memref_slice %arg11[%run_scoped3A_11, %dma_start3A_387, %dma_start3A_388] : memref<3x80x128xbf16, #tpu.memory_space<vmem>> -> memref<1x80x128xbf16, #tpu.memory_space<vmem>>
      %dma_start3A_390 = tpu.memref_squeeze %dma_start3A_389 : memref<1x80x128xbf16, #tpu.memory_space<vmem>> -> memref<80x128xbf16, #tpu.memory_space<vmem>>
      tpu.enqueue_dma source(%dma_start3A_390 : memref<80x128xbf16, #tpu.memory_space<vmem>>) target(%dma_start3A_386 : memref<80x128xbf16, #tpu.memory_space<vmem_shared>>) target_semaphore(%run_scoped3A_378 : memref<!tpu.dma_semaphore, #tpu.memory_space<semaphore_mem>>)
      %dma_wait3A_391 = arith.constant 0 : i32
      %dma_wait3A_392 = arith.constant 0 : i32
      %dma_wait3A_393 = tpu.memref_slice %arg11[%run_scoped3A_11, %dma_wait3A_391, %dma_wait3A_392] : memref<3x80x128xbf16, #tpu.memory_space<vmem>> -> memref<1x80x128xbf16, #tpu.memory_space<vmem>>
      %dma_wait3A_394 = tpu.memref_squeeze %dma_wait3A_393 : memref<1x80x128xbf16, #tpu.memory_space<vmem>> -> memref<80x128xbf16, #tpu.memory_space<vmem>>
      %dma_wait3A_395 = arith.constant 0 : i32
      %dma_wait3A_396 = tpu.memref_slice %arg7[%add3A_10, %dma_wait3A_395] : memref<10240x128xbf16, #tpu.memory_space<vmem_shared>> -> memref<80x128xbf16, #tpu.memory_space<vmem_shared>>
      %dma_wait3A_397 = arith.constant 0 : i32
      %dma_wait3A_398 = tpu.memref_slice %arg7[%add3A_10, %dma_wait3A_397] : memref<10240x128xbf16, #tpu.memory_space<vmem_shared>> -> memref<80x128xbf16, #tpu.memory_space<vmem_shared>>
      %dma_wait3A_399 = arith.constant 0 : i32
      %dma_wait3A_400 = arith.constant 0 : i32
      %dma_wait3A_401 = tpu.memref_slice %arg11[%run_scoped3A_11, %dma_wait3A_399, %dma_wait3A_400] : memref<3x80x128xbf16, #tpu.memory_space<vmem>> -> memref<1x80x128xbf16, #tpu.memory_space<vmem>>
      %dma_wait3A_402 = tpu.memref_squeeze %dma_wait3A_401 : memref<1x80x128xbf16, #tpu.memory_space<vmem>> -> memref<80x128xbf16, #tpu.memory_space<vmem>>
      tpu.wait_dma2 semaphore(%run_scoped3A_378 : memref<!tpu.dma_semaphore, #tpu.memory_space<semaphore_mem>>) src(%dma_wait3A_402 : memref<80x128xbf16, #tpu.memory_space<vmem>>) dst(%dma_wait3A_398 : memref<80x128xbf16, #tpu.memory_space<vmem_shared>>)
      tpu.yield
    }) : () -> ()
    %add3A_12 = arith.constant 80 : i32
    %add3A_13 = arith.addi %mul3A_8, %add3A_12 : i32
    %run_scoped3A_14 = arith.constant 0 : i32
    "tpu.region"() ({
      %run_scoped3A_378 = tpu.sem_alloc : memref<!tpu.dma_semaphore, #tpu.memory_space<semaphore_mem>>
      %dma_start3A_379 = arith.constant 0 : i32
      %dma_start3A_380 = arith.constant 0 : i32
      %dma_start3A_381 = tpu.memref_slice %arg11[%run_scoped3A_14, %dma_start3A_379, %dma_start3A_380] : memref<3x80x128xbf16, #tpu.memory_space<vmem>> -> memref<1x80x128xbf16, #tpu.memory_space<vmem>>
      %dma_start3A_382 = tpu.memref_squeeze %dma_start3A_381 : memref<1x80x128xbf16, #tpu.memory_space<vmem>> -> memref<80x128xbf16, #tpu.memory_space<vmem>>
      %dma_start3A_383 = arith.constant 0 : i32
      %dma_start3A_384 = tpu.memref_slice %arg7[%add3A_13, %dma_start3A_383] : memref<10240x128xbf16, #tpu.memory_space<vmem_shared>> -> memref<80x128xbf16, #tpu.memory_space<vmem_shared>>
      %dma_start3A_385 = arith.constant 0 : i32
      %dma_start3A_386 = tpu.memref_slice %arg7[%add3A_13, %dma_start3A_385] : memref<10240x128xbf16, #tpu.memory_space<vmem_shared>> -> memref<80x128xbf16, #tpu.memory_space<vmem_shared>>
      %dma_start3A_387 = arith.constant 0 : i32
      %dma_start3A_388 = arith.constant 0 : i32
      %dma_start3A_389 = tpu.memref_slice %arg11[%run_scoped3A_14, %dma_start3A_387, %dma_start3A_388] : memref<3x80x128xbf16, #tpu.memory_space<vmem>> -> memref<1x80x128xbf16, #tpu.memory_space<vmem>>
      %dma_start3A_390 = tpu.memref_squeeze %dma_start3A_389 : memref<1x80x128xbf16, #tpu.memory_space<vmem>> -> memref<80x128xbf16, #tpu.memory_space<vmem>>
      tpu.enqueue_dma source(%dma_start3A_390 : memref<80x128xbf16, #tpu.memory_space<vmem>>) target(%dma_start3A_386 : memref<80x128xbf16, #tpu.memory_space<vmem_shared>>) target_semaphore(%run_scoped3A_378 : memref<!tpu.dma_semaphore, #tpu.memory_space<semaphore_mem>>)
      %dma_wait3A_391 = arith.constant 0 : i32
      %dma_wait3A_392 = arith.constant 0 : i32
      %dma_wait3A_393 = tpu.memref_slice %arg11[%run_scoped3A_14, %dma_wait3A_391, %dma_wait3A_392] : memref<3x80x128xbf16, #tpu.memory_space<vmem>> -> memref<1x80x128xbf16, #tpu.memory_space<vmem>>
      %dma_wait3A_394 = tpu.memref_squeeze %dma_wait3A_393 : memref<1x80x128xbf16, #tpu.memory_space<vmem>> -> memref<80x128xbf16, #tpu.memory_space<vmem>>
      %dma_wait3A_395 = arith.constant 0 : i32
      %dma_wait3A_396 = tpu.memref_slice %arg7[%add3A_13, %dma_wait3A_395] : memref<10240x128xbf16, #tpu.memory_space<vmem_shared>> -> memref<80x128xbf16, #tpu.memory_space<vmem_shared>>
      %dma_wait3A_397 = arith.constant 0 : i32
      %dma_wait3A_398 = tpu.memref_slice %arg7[%add3A_13, %dma_wait3A_397] : memref<10240x128xbf16, #tpu.memory_space<vmem_shared>> -> memref<80x128xbf16, #tpu.memory_space<vmem_shared>>
      %dma_wait3A_399 = arith.constant 0 : i32
      %dma_wait3A_400 = arith.constant 0 : i32
      %dma_wait3A_401 = tpu.memref_slice %arg11[%run_scoped3A_14, %dma_wait3A_399, %dma_wait3A_400] : memref<3x80x128xbf16, #tpu.memory_space<vmem>> -> memref<1x80x128xbf16, #tpu.memory_space<vmem>>
      %dma_wait3A_402 = tpu.memref_squeeze %dma_wait3A_401 : memref<1x80x128xbf16, #tpu.memory_space<vmem>> -> memref<80x128xbf16, #tpu.memory_space<vmem>>
      tpu.wait_dma2 semaphore(%run_scoped3A_378 : memref<!tpu.dma_semaphore, #tpu.memory_space<semaphore_mem>>) src(%dma_wait3A_402 : memref<80x128xbf16, #tpu.memory_space<vmem>>) dst(%dma_wait3A_398 : memref<80x128xbf16, #tpu.memory_space<vmem_shared>>)
      tpu.yield
    }) : () -> ()
    %add3A_15 = arith.constant 160 : i32
    %add3A_16 = arith.addi %mul3A_8, %add3A_15 : i32
    %run_scoped3A_17 = arith.constant 0 : i32
    "tpu.region"() ({
      %run_scoped3A_378 = tpu.sem_alloc : memref<!tpu.dma_semaphore, #tpu.memory_space<semaphore_mem>>
      %dma_start3A_379 = arith.constant 0 : i32
      %dma_start3A_380 = arith.constant 0 : i32
      %dma_start3A_381 = tpu.memref_slice %arg11[%run_scoped3A_17, %dma_start3A_379, %dma_start3A_380] : memref<3x80x128xbf16, #tpu.memory_space<vmem>> -> memref<1x80x128xbf16, #tpu.memory_space<vmem>>
      %dma_start3A_382 = tpu.memref_squeeze %dma_start3A_381 : memref<1x80x128xbf16, #tpu.memory_space<vmem>> -> memref<80x128xbf16, #tpu.memory_space<vmem>>
      %dma_start3A_383 = arith.constant 0 : i32
      %dma_start3A_384 = tpu.memref_slice %arg7[%add3A_16, %dma_start3A_383] : memref<10240x128xbf16, #tpu.memory_space<vmem_shared>> -> memref<80x128xbf16, #tpu.memory_space<vmem_shared>>
      %dma_start3A_385 = arith.constant 0 : i32
      %dma_start3A_386 = tpu.memref_slice %arg7[%add3A_16, %dma_start3A_385] : memref<10240x128xbf16, #tpu.memory_space<vmem_shared>> -> memref<80x128xbf16, #tpu.memory_space<vmem_shared>>
      %dma_start3A_387 = arith.constant 0 : i32
      %dma_start3A_388 = arith.constant 0 : i32
      %dma_start3A_389 = tpu.memref_slice %arg11[%run_scoped3A_17, %dma_start3A_387, %dma_start3A_388] : memref<3x80x128xbf16, #tpu.memory_space<vmem>> -> memref<1x80x128xbf16, #tpu.memory_space<vmem>>
      %dma_start3A_390 = tpu.memref_squeeze %dma_start3A_389 : memref<1x80x128xbf16, #tpu.memory_space<vmem>> -> memref<80x128xbf16, #tpu.memory_space<vmem>>
      tpu.enqueue_dma source(%dma_start3A_390 : memref<80x128xbf16, #tpu.memory_space<vmem>>) target(%dma_start3A_386 : memref<80x128xbf16, #tpu.memory_space<vmem_shared>>) target_semaphore(%run_scoped3A_378 : memref<!tpu.dma_semaphore, #tpu.memory_space<semaphore_mem>>)
      %dma_wait3A_391 = arith.constant 0 : i32
      %dma_wait3A_392 = arith.constant 0 : i32
      %dma_wait3A_393 = tpu.memref_slice %arg11[%run_scoped3A_17, %dma_wait3A_391, %dma_wait3A_392] : memref<3x80x128xbf16, #tpu.memory_space<vmem>> -> memref<1x80x128xbf16, #tpu.memory_space<vmem>>
      %dma_wait3A_394 = tpu.memref_squeeze %dma_wait3A_393 : memref<1x80x128xbf16, #tpu.memory_space<vmem>> -> memref<80x128xbf16, #tpu.memory_space<vmem>>
      %dma_wait3A_395 = arith.constant 0 : i32
      %dma_wait3A_396 = tpu.memref_slice %arg7[%add3A_16, %dma_wait3A_395] : memref<10240x128xbf16, #tpu.memory_space<vmem_shared>> -> memref<80x128xbf16, #tpu.memory_space<vmem_shared>>
      %dma_wait3A_397 = arith.constant 0 : i32
      %dma_wait3A_398 = tpu.memref_slice %arg7[%add3A_16, %dma_wait3A_397] : memref<10240x128xbf16, #tpu.memory_space<vmem_shared>> -> memref<80x128xbf16, #tpu.memory_space<vmem_shared>>
      %dma_wait3A_399 = arith.constant 0 : i32
      %dma_wait3A_400 = arith.constant 0 : i32
      %dma_wait3A_401 = tpu.memref_slice %arg11[%run_scoped3A_17, %dma_wait3A_399, %dma_wait3A_400] : memref<3x80x128xbf16, #tpu.memory_space<vmem>> -> memref<1x80x128xbf16, #tpu.memory_space<vmem>>
      %dma_wait3A_402 = tpu.memref_squeeze %dma_wait3A_401 : memref<1x80x128xbf16, #tpu.memory_space<vmem>> -> memref<80x128xbf16, #tpu.memory_space<vmem>>
      tpu.wait_dma2 semaphore(%run_scoped3A_378 : memref<!tpu.dma_semaphore, #tpu.memory_space<semaphore_mem>>) src(%dma_wait3A_402 : memref<80x128xbf16, #tpu.memory_space<vmem>>) dst(%dma_wait3A_398 : memref<80x128xbf16, #tpu.memory_space<vmem_shared>>)
      tpu.yield
    }) : () -> ()
    %add3A_18 = arith.constant 240 : i32
    %add3A_19 = arith.addi %mul3A_8, %add3A_18 : i32
    %run_scoped3A_20 = arith.constant 0 : i32
    "tpu.region"() ({
      %run_scoped3A_378 = tpu.sem_alloc : memref<!tpu.dma_semaphore, #tpu.memory_space<semaphore_mem>>
      %dma_start3A_379 = arith.constant 0 : i32
      %dma_start3A_380 = arith.constant 0 : i32
      %dma_start3A_381 = tpu.memref_slice %arg11[%run_scoped3A_20, %dma_start3A_379, %dma_start3A_380] : memref<3x80x128xbf16, #tpu.memory_space<vmem>> -> memref<1x80x128xbf16, #tpu.memory_space<vmem>>
      %dma_start3A_382 = tpu.memref_squeeze %dma_start3A_381 : memref<1x80x128xbf16, #tpu.memory_space<vmem>> -> memref<80x128xbf16, #tpu.memory_space<vmem>>
      %dma_start3A_383 = arith.constant 0 : i32
      %dma_start3A_384 = tpu.memref_slice %arg7[%add3A_19, %dma_start3A_383] : memref<10240x128xbf16, #tpu.memory_space<vmem_shared>> -> memref<80x128xbf16, #tpu.memory_space<vmem_shared>>
      %dma_start3A_385 = arith.constant 0 : i32
      %dma_start3A_386 = tpu.memref_slice %arg7[%add3A_19, %dma_start3A_385] : memref<10240x128xbf16, #tpu.memory_space<vmem_shared>> -> memref<80x128xbf16, #tpu.memory_space<vmem_shared>>
      %dma_start3A_387 = arith.constant 0 : i32
      %dma_start3A_388 = arith.constant 0 : i32
      %dma_start3A_389 = tpu.memref_slice %arg11[%run_scoped3A_20, %dma_start3A_387, %dma_start3A_388] : memref<3x80x128xbf16, #tpu.memory_space<vmem>> -> memref<1x80x128xbf16, #tpu.memory_space<vmem>>
      %dma_start3A_390 = tpu.memref_squeeze %dma_start3A_389 : memref<1x80x128xbf16, #tpu.memory_space<vmem>> -> memref<80x128xbf16, #tpu.memory_space<vmem>>
      tpu.enqueue_dma source(%dma_start3A_390 : memref<80x128xbf16, #tpu.memory_space<vmem>>) target(%dma_start3A_386 : memref<80x128xbf16, #tpu.memory_space<vmem_shared>>) target_semaphore(%run_scoped3A_378 : memref<!tpu.dma_semaphore, #tpu.memory_space<semaphore_mem>>)
      %dma_wait3A_391 = arith.constant 0 : i32
      %dma_wait3A_392 = arith.constant 0 : i32
      %dma_wait3A_393 = tpu.memref_slice %arg11[%run_scoped3A_20, %dma_wait3A_391, %dma_wait3A_392] : memref<3x80x128xbf16, #tpu.memory_space<vmem>> -> memref<1x80x128xbf16, #tpu.memory_space<vmem>>
      %dma_wait3A_394 = tpu.memref_squeeze %dma_wait3A_393 : memref<1x80x128xbf16, #tpu.memory_space<vmem>> -> memref<80x128xbf16, #tpu.memory_space<vmem>>
      %dma_wait3A_395 = arith.constant 0 : i32
      %dma_wait3A_396 = tpu.memref_slice %arg7[%add3A_19, %dma_wait3A_395] : memref<10240x128xbf16, #tpu.memory_space<vmem_shared>> -> memref<80x128xbf16, #tpu.memory_space<vmem_shared>>
      %dma_wait3A_397 = arith.constant 0 : i32
      %dma_wait3A_398 = tpu.memref_slice %arg7[%add3A_19, %dma_wait3A_397] : memref<10240x128xbf16, #tpu.memory_space<vmem_shared>> -> memref<80x128xbf16, #tpu.memory_space<vmem_shared>>
      %dma_wait3A_399 = arith.constant 0 : i32
      %dma_wait3A_400 = arith.constant 0 : i32
      %dma_wait3A_401 = tpu.memref_slice %arg11[%run_scoped3A_20, %dma_wait3A_399, %dma_wait3A_400] : memref<3x80x128xbf16, #tpu.memory_space<vmem>> -> memref<1x80x128xbf16, #tpu.memory_space<vmem>>
      %dma_wait3A_402 = tpu.memref_squeeze %dma_wait3A_401 : memref<1x80x128xbf16, #tpu.memory_space<vmem>> -> memref<80x128xbf16, #tpu.memory_space<vmem>>
      tpu.wait_dma2 semaphore(%run_scoped3A_378 : memref<!tpu.dma_semaphore, #tpu.memory_space<semaphore_mem>>) src(%dma_wait3A_402 : memref<80x128xbf16, #tpu.memory_space<vmem>>) dst(%dma_wait3A_398 : memref<80x128xbf16, #tpu.memory_space<vmem_shared>>)
      tpu.yield
    }) : () -> ()
    %add3A_21 = arith.constant 320 : i32
    %add3A_22 = arith.addi %mul3A_8, %add3A_21 : i32
    %run_scoped3A_23 = arith.constant 0 : i32
    "tpu.region"() ({
      %run_scoped3A_378 = tpu.sem_alloc : memref<!tpu.dma_semaphore, #tpu.memory_space<semaphore_mem>>
      %dma_start3A_379 = arith.constant 0 : i32
      %dma_start3A_380 = arith.constant 0 : i32
      %dma_start3A_381 = tpu.memref_slice %arg11[%run_scoped3A_23, %dma_start3A_379, %dma_start3A_380] : memref<3x80x128xbf16, #tpu.memory_space<vmem>> -> memref<1x80x128xbf16, #tpu.memory_space<vmem>>
      %dma_start3A_382 = tpu.memref_squeeze %dma_start3A_381 : memref<1x80x128xbf16, #tpu.memory_space<vmem>> -> memref<80x128xbf16, #tpu.memory_space<vmem>>
      %dma_start3A_383 = arith.constant 0 : i32
      %dma_start3A_384 = tpu.memref_slice %arg7[%add3A_22, %dma_start3A_383] : memref<10240x128xbf16, #tpu.memory_space<vmem_shared>> -> memref<80x128xbf16, #tpu.memory_space<vmem_shared>>
      %dma_start3A_385 = arith.constant 0 : i32
      %dma_start3A_386 = tpu.memref_slice %arg7[%add3A_22, %dma_start3A_385] : memref<10240x128xbf16, #tpu.memory_space<vmem_shared>> -> memref<80x128xbf16, #tpu.memory_space<vmem_shared>>
      %dma_start3A_387 = arith.constant 0 : i32
      %dma_start3A_388 = arith.constant 0 : i32
      %dma_start3A_389 = tpu.memref_slice %arg11[%run_scoped3A_23, %dma_start3A_387, %dma_start3A_388] : memref<3x80x128xbf16, #tpu.memory_space<vmem>> -> memref<1x80x128xbf16, #tpu.memory_space<vmem>>
      %dma_start3A_390 = tpu.memref_squeeze %dma_start3A_389 : memref<1x80x128xbf16, #tpu.memory_space<vmem>> -> memref<80x128xbf16, #tpu.memory_space<vmem>>
      tpu.enqueue_dma source(%dma_start3A_390 : memref<80x128xbf16, #tpu.memory_space<vmem>>) target(%dma_start3A_386 : memref<80x128xbf16, #tpu.memory_space<vmem_shared>>) target_semaphore(%run_scoped3A_378 : memref<!tpu.dma_semaphore, #tpu.memory_space<semaphore_mem>>)
      %dma_wait3A_391 = arith.constant 0 : i32
      %dma_wait3A_392 = arith.constant 0 : i32
      %dma_wait3A_393 = tpu.memref_slice %arg11[%run_scoped3A_23, %dma_wait3A_391, %dma_wait3A_392] : memref<3x80x128xbf16, #tpu.memory_space<vmem>> -> memref<1x80x128xbf16, #tpu.memory_space<vmem>>
      %dma_wait3A_394 = tpu.memref_squeeze %dma_wait3A_393 : memref<1x80x128xbf16, #tpu.memory_space<vmem>> -> memref<80x128xbf16, #tpu.memory_space<vmem>>
      %dma_wait3A_395 = arith.constant 0 : i32
      %dma_wait3A_396 = tpu.memref_slice %arg7[%add3A_22, %dma_wait3A_395] : memref<10240x128xbf16, #tpu.memory_space<vmem_shared>> -> memref<80x128xbf16, #tpu.memory_space<vmem_shared>>
      %dma_wait3A_397 = arith.constant 0 : i32
      %dma_wait3A_398 = tpu.memref_slice %arg7[%add3A_22, %dma_wait3A_397] : memref<10240x128xbf16, #tpu.memory_space<vmem_shared>> -> memref<80x128xbf16, #tpu.memory_space<vmem_shared>>
      %dma_wait3A_399 = arith.constant 0 : i32
      %dma_wait3A_400 = arith.constant 0 : i32
      %dma_wait3A_401 = tpu.memref_slice %arg11[%run_scoped3A_23, %dma_wait3A_399, %dma_wait3A_400] : memref<3x80x128xbf16, #tpu.memory_space<vmem>> -> memref<1x80x128xbf16, #tpu.memory_space<vmem>>
      %dma_wait3A_402 = tpu.memref_squeeze %dma_wait3A_401 : memref<1x80x128xbf16, #tpu.memory_space<vmem>> -> memref<80x128xbf16, #tpu.memory_space<vmem>>
      tpu.wait_dma2 semaphore(%run_scoped3A_378 : memref<!tpu.dma_semaphore, #tpu.memory_space<semaphore_mem>>) src(%dma_wait3A_402 : memref<80x128xbf16, #tpu.memory_space<vmem>>) dst(%dma_wait3A_398 : memref<80x128xbf16, #tpu.memory_space<vmem_shared>>)
      tpu.yield
    }) : () -> ()
    %add3A_24 = arith.constant 400 : i32
    %add3A_25 = arith.addi %mul3A_8, %add3A_24 : i32
    %run_scoped3A_26 = arith.constant 0 : i32
    "tpu.region"() ({
      %run_scoped3A_378 = tpu.sem_alloc : memref<!tpu.dma_semaphore, #tpu.memory_space<semaphore_mem>>
      %dma_start3A_379 = arith.constant 0 : i32
      %dma_start3A_380 = arith.constant 0 : i32
      %dma_start3A_381 = tpu.memref_slice %arg11[%run_scoped3A_26, %dma_start3A_379, %dma_start3A_380] : memref<3x80x128xbf16, #tpu.memory_space<vmem>> -> memref<1x80x128xbf16, #tpu.memory_space<vmem>>
      %dma_start3A_382 = tpu.memref_squeeze %dma_start3A_381 : memref<1x80x128xbf16, #tpu.memory_space<vmem>> -> memref<80x128xbf16, #tpu.memory_space<vmem>>
      %dma_start3A_383 = arith.constant 0 : i32
      %dma_start3A_384 = tpu.memref_slice %arg7[%add3A_25, %dma_start3A_383] : memref<10240x128xbf16, #tpu.memory_space<vmem_shared>> -> memref<80x128xbf16, #tpu.memory_space<vmem_shared>>
      %dma_start3A_385 = arith.constant 0 : i32
      %dma_start3A_386 = tpu.memref_slice %arg7[%add3A_25, %dma_start3A_385] : memref<10240x128xbf16, #tpu.memory_space<vmem_shared>> -> memref<80x128xbf16, #tpu.memory_space<vmem_shared>>
      %dma_start3A_387 = arith.constant 0 : i32
      %dma_start3A_388 = arith.constant 0 : i32
      %dma_start3A_389 = tpu.memref_slice %arg11[%run_scoped3A_26, %dma_start3A_387, %dma_start3A_388] : memref<3x80x128xbf16, #tpu.memory_space<vmem>> -> memref<1x80x128xbf16, #tpu.memory_space<vmem>>
      %dma_start3A_390 = tpu.memref_squeeze %dma_start3A_389 : memref<1x80x128xbf16, #tpu.memory_space<vmem>> -> memref<80x128xbf16, #tpu.memory_space<vmem>>
      tpu.enqueue_dma source(%dma_start3A_390 : memref<80x128xbf16, #tpu.memory_space<vmem>>) target(%dma_start3A_386 : memref<80x128xbf16, #tpu.memory_space<vmem_shared>>) target_semaphore(%run_scoped3A_378 : memref<!tpu.dma_semaphore, #tpu.memory_space<semaphore_mem>>)
      %dma_wait3A_391 = arith.constant 0 : i32
      %dma_wait3A_392 = arith.constant 0 : i32
      %dma_wait3A_393 = tpu.memref_slice %arg11[%run_scoped3A_26, %dma_wait3A_391, %dma_wait3A_392] : memref<3x80x128xbf16, #tpu.memory_space<vmem>> -> memref<1x80x128xbf16, #tpu.memory_space<vmem>>
      %dma_wait3A_394 = tpu.memref_squeeze %dma_wait3A_393 : memref<1x80x128xbf16, #tpu.memory_space<vmem>> -> memref<80x128xbf16, #tpu.memory_space<vmem>>
      %dma_wait3A_395 = arith.constant 0 : i32
      %dma_wait3A_396 = tpu.memref_slice %arg7[%add3A_25, %dma_wait3A_395] : memref<10240x128xbf16, #tpu.memory_space<vmem_shared>> -> memref<80x128xbf16, #tpu.memory_space<vmem_shared>>
      %dma_wait3A_397 = arith.constant 0 : i32
      %dma_wait3A_398 = tpu.memref_slice %arg7[%add3A_25, %dma_wait3A_397] : memref<10240x128xbf16, #tpu.memory_space<vmem_shared>> -> memref<80x128xbf16, #tpu.memory_space<vmem_shared>>
      %dma_wait3A_399 = arith.constant 0 : i32
      %dma_wait3A_400 = arith.constant 0 : i32
      %dma_wait3A_401 = tpu.memref_slice %arg11[%run_scoped3A_26, %dma_wait3A_399, %dma_wait3A_400] : memref<3x80x128xbf16, #tpu.memory_space<vmem>> -> memref<1x80x128xbf16, #tpu.memory_space<vmem>>
      %dma_wait3A_402 = tpu.memref_squeeze %dma_wait3A_401 : memref<1x80x128xbf16, #tpu.memory_space<vmem>> -> memref<80x128xbf16, #tpu.memory_space<vmem>>
      tpu.wait_dma2 semaphore(%run_scoped3A_378 : memref<!tpu.dma_semaphore, #tpu.memory_space<semaphore_mem>>) src(%dma_wait3A_402 : memref<80x128xbf16, #tpu.memory_space<vmem>>) dst(%dma_wait3A_398 : memref<80x128xbf16, #tpu.memory_space<vmem_shared>>)
      tpu.yield
    }) : () -> ()
    %add3A_27 = arith.constant 480 : i32
    %add3A_28 = arith.addi %mul3A_8, %add3A_27 : i32
    %run_scoped3A_29 = arith.constant 0 : i32
    "tpu.region"() ({
      %run_scoped3A_378 = tpu.sem_alloc : memref<!tpu.dma_semaphore, #tpu.memory_space<semaphore_mem>>
      %dma_start3A_379 = arith.constant 0 : i32
      %dma_start3A_380 = arith.constant 0 : i32
      %dma_start3A_381 = tpu.memref_slice %arg11[%run_scoped3A_29, %dma_start3A_379, %dma_start3A_380] : memref<3x80x128xbf16, #tpu.memory_space<vmem>> -> memref<1x80x128xbf16, #tpu.memory_space<vmem>>
      %dma_start3A_382 = tpu.memref_squeeze %dma_start3A_381 : memref<1x80x128xbf16, #tpu.memory_space<vmem>> -> memref<80x128xbf16, #tpu.memory_space<vmem>>
      %dma_start3A_383 = arith.constant 0 : i32
      %dma_start3A_384 = tpu.memref_slice %arg7[%add3A_28, %dma_start3A_383] : memref<10240x128xbf16, #tpu.memory_space<vmem_shared>> -> memref<80x128xbf16, #tpu.memory_space<vmem_shared>>
      %dma_start3A_385 = arith.constant 0 : i32
      %dma_start3A_386 = tpu.memref_slice %arg7[%add3A_28, %dma_start3A_385] : memref<10240x128xbf16, #tpu.memory_space<vmem_shared>> -> memref<80x128xbf16, #tpu.memory_space<vmem_shared>>
      %dma_start3A_387 = arith.constant 0 : i32
      %dma_start3A_388 = arith.constant 0 : i32
      %dma_start3A_389 = tpu.memref_slice %arg11[%run_scoped3A_29, %dma_start3A_387, %dma_start3A_388] : memref<3x80x128xbf16, #tpu.memory_space<vmem>> -> memref<1x80x128xbf16, #tpu.memory_space<vmem>>
      %dma_start3A_390 = tpu.memref_squeeze %dma_start3A_389 : memref<1x80x128xbf16, #tpu.memory_space<vmem>> -> memref<80x128xbf16, #tpu.memory_space<vmem>>
      tpu.enqueue_dma source(%dma_start3A_390 : memref<80x128xbf16, #tpu.memory_space<vmem>>) target(%dma_start3A_386 : memref<80x128xbf16, #tpu.memory_space<vmem_shared>>) target_semaphore(%run_scoped3A_378 : memref<!tpu.dma_semaphore, #tpu.memory_space<semaphore_mem>>)
      %dma_wait3A_391 = arith.constant 0 : i32
      %dma_wait3A_392 = arith.constant 0 : i32
      %dma_wait3A_393 = tpu.memref_slice %arg11[%run_scoped3A_29, %dma_wait3A_391, %dma_wait3A_392] : memref<3x80x128xbf16, #tpu.memory_space<vmem>> -> memref<1x80x128xbf16, #tpu.memory_space<vmem>>
      %dma_wait3A_394 = tpu.memref_squeeze %dma_wait3A_393 : memref<1x80x128xbf16, #tpu.memory_space<vmem>> -> memref<80x128xbf16, #tpu.memory_space<vmem>>
      %dma_wait3A_395 = arith.constant 0 : i32
      %dma_wait3A_396 = tpu.memref_slice %arg7[%add3A_28, %dma_wait3A_395] : memref<10240x128xbf16, #tpu.memory_space<vmem_shared>> -> memref<80x128xbf16, #tpu.memory_space<vmem_shared>>
      %dma_wait3A_397 = arith.constant 0 : i32
      %dma_wait3A_398 = tpu.memref_slice %arg7[%add3A_28, %dma_wait3A_397] : memref<10240x128xbf16, #tpu.memory_space<vmem_shared>> -> memref<80x128xbf16, #tpu.memory_space<vmem_shared>>
      %dma_wait3A_399 = arith.constant 0 : i32
      %dma_wait3A_400 = arith.constant 0 : i32
      %dma_wait3A_401 = tpu.memref_slice %arg11[%run_scoped3A_29, %dma_wait3A_399, %dma_wait3A_400] : memref<3x80x128xbf16, #tpu.memory_space<vmem>> -> memref<1x80x128xbf16, #tpu.memory_space<vmem>>
      %dma_wait3A_402 = tpu.memref_squeeze %dma_wait3A_401 : memref<1x80x128xbf16, #tpu.memory_space<vmem>> -> memref<80x128xbf16, #tpu.memory_space<vmem>>
      tpu.wait_dma2 semaphore(%run_scoped3A_378 : memref<!tpu.dma_semaphore, #tpu.memory_space<semaphore_mem>>) src(%dma_wait3A_402 : memref<80x128xbf16, #tpu.memory_space<vmem>>) dst(%dma_wait3A_398 : memref<80x128xbf16, #tpu.memory_space<vmem_shared>>)
      tpu.yield
    }) : () -> ()
    %add3A_30 = arith.constant 560 : i32
    %add3A_31 = arith.addi %mul3A_8, %add3A_30 : i32
    %run_scoped3A_32 = arith.constant 0 : i32
    "tpu.region"() ({
      %run_scoped3A_378 = tpu.sem_alloc : memref<!tpu.dma_semaphore, #tpu.memory_space<semaphore_mem>>
      %dma_start3A_379 = arith.constant 0 : i32
      %dma_start3A_380 = arith.constant 0 : i32
      %dma_start3A_381 = tpu.memref_slice %arg11[%run_scoped3A_32, %dma_start3A_379, %dma_start3A_380] : memref<3x80x128xbf16, #tpu.memory_space<vmem>> -> memref<1x80x128xbf16, #tpu.memory_space<vmem>>
      %dma_start3A_382 = tpu.memref_squeeze %dma_start3A_381 : memref<1x80x128xbf16, #tpu.memory_space<vmem>> -> memref<80x128xbf16, #tpu.memory_space<vmem>>
      %dma_start3A_383 = arith.constant 0 : i32
      %dma_start3A_384 = tpu.memref_slice %arg7[%add3A_31, %dma_start3A_383] : memref<10240x128xbf16, #tpu.memory_space<vmem_shared>> -> memref<80x128xbf16, #tpu.memory_space<vmem_shared>>
      %dma_start3A_385 = arith.constant 0 : i32
      %dma_start3A_386 = tpu.memref_slice %arg7[%add3A_31, %dma_start3A_385] : memref<10240x128xbf16, #tpu.memory_space<vmem_shared>> -> memref<80x128xbf16, #tpu.memory_space<vmem_shared>>
      %dma_start3A_387 = arith.constant 0 : i32
      %dma_start3A_388 = arith.constant 0 : i32
      %dma_start3A_389 = tpu.memref_slice %arg11[%run_scoped3A_32, %dma_start3A_387, %dma_start3A_388] : memref<3x80x128xbf16, #tpu.memory_space<vmem>> -> memref<1x80x128xbf16, #tpu.memory_space<vmem>>
      %dma_start3A_390 = tpu.memref_squeeze %dma_start3A_389 : memref<1x80x128xbf16, #tpu.memory_space<vmem>> -> memref<80x128xbf16, #tpu.memory_space<vmem>>
      tpu.enqueue_dma source(%dma_start3A_390 : memref<80x128xbf16, #tpu.memory_space<vmem>>) target(%dma_start3A_386 : memref<80x128xbf16, #tpu.memory_space<vmem_shared>>) target_semaphore(%run_scoped3A_378 : memref<!tpu.dma_semaphore, #tpu.memory_space<semaphore_mem>>)
      %dma_wait3A_391 = arith.constant 0 : i32
      %dma_wait3A_392 = arith.constant 0 : i32
      %dma_wait3A_393 = tpu.memref_slice %arg11[%run_scoped3A_32, %dma_wait3A_391, %dma_wait3A_392] : memref<3x80x128xbf16, #tpu.memory_space<vmem>> -> memref<1x80x128xbf16, #tpu.memory_space<vmem>>
      %dma_wait3A_394 = tpu.memref_squeeze %dma_wait3A_393 : memref<1x80x128xbf16, #tpu.memory_space<vmem>> -> memref<80x128xbf16, #tpu.memory_space<vmem>>
      %dma_wait3A_395 = arith.constant 0 : i32
      %dma_wait3A_396 = tpu.memref_slice %arg7[%add3A_31, %dma_wait3A_395] : memref<10240x128xbf16, #tpu.memory_space<vmem_shared>> -> memref<80x128xbf16, #tpu.memory_space<vmem_shared>>
      %dma_wait3A_397 = arith.constant 0 : i32
      %dma_wait3A_398 = tpu.memref_slice %arg7[%add3A_31, %dma_wait3A_397] : memref<10240x128xbf16, #tpu.memory_space<vmem_shared>> -> memref<80x128xbf16, #tpu.memory_space<vmem_shared>>
      %dma_wait3A_399 = arith.constant 0 : i32
      %dma_wait3A_400 = arith.constant 0 : i32
      %dma_wait3A_401 = tpu.memref_slice %arg11[%run_scoped3A_32, %dma_wait3A_399, %dma_wait3A_400] : memref<3x80x128xbf16, #tpu.memory_space<vmem>> -> memref<1x80x128xbf16, #tpu.memory_space<vmem>>
      %dma_wait3A_402 = tpu.memref_squeeze %dma_wait3A_401 : memref<1x80x128xbf16, #tpu.memory_space<vmem>> -> memref<80x128xbf16, #tpu.memory_space<vmem>>
      tpu.wait_dma2 semaphore(%run_scoped3A_378 : memref<!tpu.dma_semaphore, #tpu.memory_space<semaphore_mem>>) src(%dma_wait3A_402 : memref<80x128xbf16, #tpu.memory_space<vmem>>) dst(%dma_wait3A_398 : memref<80x128xbf16, #tpu.memory_space<vmem_shared>>)
      tpu.yield
    }) : () -> ()
    %add3A_33 = arith.constant 0 : i32
    %add3A_34 = arith.addi %mul3A_8, %add3A_33 : i32
    %run_scoped3A_35 = arith.constant 0 : i32
    "tpu.region"() ({
      %run_scoped3A_378 = tpu.sem_alloc : memref<!tpu.dma_semaphore, #tpu.memory_space<semaphore_mem>>
      %dma_start3A_379 = arith.constant 0 : i32
      %dma_start3A_380 = arith.constant 0 : i32
      %dma_start3A_381 = tpu.memref_slice %arg11[%run_scoped3A_35, %dma_start3A_379, %dma_start3A_380] : memref<3x80x128xbf16, #tpu.memory_space<vmem>> -> memref<1x80x128xbf16, #tpu.memory_space<vmem>>
      %dma_start3A_382 = tpu.memref_squeeze %dma_start3A_381 : memref<1x80x128xbf16, #tpu.memory_space<vmem>> -> memref<80x128xbf16, #tpu.memory_space<vmem>>
      %dma_start3A_383 = arith.constant 0 : i32
      %dma_start3A_384 = tpu.memref_slice %arg8[%add3A_34, %dma_start3A_383] : memref<10240x128xbf16, #tpu.memory_space<vmem_shared>> -> memref<80x128xbf16, #tpu.memory_space<vmem_shared>>
      %dma_start3A_385 = arith.constant 0 : i32
      %dma_start3A_386 = tpu.memref_slice %arg8[%add3A_34, %dma_start3A_385] : memref<10240x128xbf16, #tpu.memory_space<vmem_shared>> -> memref<80x128xbf16, #tpu.memory_space<vmem_shared>>
      %dma_start3A_387 = arith.constant 0 : i32
      %dma_start3A_388 = arith.constant 0 : i32
      %dma_start3A_389 = tpu.memref_slice %arg11[%run_scoped3A_35, %dma_start3A_387, %dma_start3A_388] : memref<3x80x128xbf16, #tpu.memory_space<vmem>> -> memref<1x80x128xbf16, #tpu.memory_space<vmem>>
      %dma_start3A_390 = tpu.memref_squeeze %dma_start3A_389 : memref<1x80x128xbf16, #tpu.memory_space<vmem>> -> memref<80x128xbf16, #tpu.memory_space<vmem>>
      tpu.enqueue_dma source(%dma_start3A_390 : memref<80x128xbf16, #tpu.memory_space<vmem>>) target(%dma_start3A_386 : memref<80x128xbf16, #tpu.memory_space<vmem_shared>>) target_semaphore(%run_scoped3A_378 : memref<!tpu.dma_semaphore, #tpu.memory_space<semaphore_mem>>)
      %dma_wait3A_391 = arith.constant 0 : i32
      %dma_wait3A_392 = arith.constant 0 : i32
      %dma_wait3A_393 = tpu.memref_slice %arg11[%run_scoped3A_35, %dma_wait3A_391, %dma_wait3A_392] : memref<3x80x128xbf16, #tpu.memory_space<vmem>> -> memref<1x80x128xbf16, #tpu.memory_space<vmem>>
      %dma_wait3A_394 = tpu.memref_squeeze %dma_wait3A_393 : memref<1x80x128xbf16, #tpu.memory_space<vmem>> -> memref<80x128xbf16, #tpu.memory_space<vmem>>
      %dma_wait3A_395 = arith.constant 0 : i32
      %dma_wait3A_396 = tpu.memref_slice %arg8[%add3A_34, %dma_wait3A_395] : memref<10240x128xbf16, #tpu.memory_space<vmem_shared>> -> memref<80x128xbf16, #tpu.memory_space<vmem_shared>>
      %dma_wait3A_397 = arith.constant 0 : i32
      %dma_wait3A_398 = tpu.memref_slice %arg8[%add3A_34, %dma_wait3A_397] : memref<10240x128xbf16, #tpu.memory_space<vmem_shared>> -> memref<80x128xbf16, #tpu.memory_space<vmem_shared>>
      %dma_wait3A_399 = arith.constant 0 : i32
      %dma_wait3A_400 = arith.constant 0 : i32
      %dma_wait3A_401 = tpu.memref_slice %arg11[%run_scoped3A_35, %dma_wait3A_399, %dma_wait3A_400] : memref<3x80x128xbf16, #tpu.memory_space<vmem>> -> memref<1x80x128xbf16, #tpu.memory_space<vmem>>
      %dma_wait3A_402 = tpu.memref_squeeze %dma_wait3A_401 : memref<1x80x128xbf16, #tpu.memory_space<vmem>> -> memref<80x128xbf16, #tpu.memory_space<vmem>>
      tpu.wait_dma2 semaphore(%run_scoped3A_378 : memref<!tpu.dma_semaphore, #tpu.memory_space<semaphore_mem>>) src(%dma_wait3A_402 : memref<80x128xbf16, #tpu.memory_space<vmem>>) dst(%dma_wait3A_398 : memref<80x128xbf16, #tpu.memory_space<vmem_shared>>)
      tpu.yield
    }) : () -> ()
    %add3A_36 = arith.constant 80 : i32
    %add3A_37 = arith.addi %mul3A_8, %add3A_36 : i32
    %run_scoped3A_38 = arith.constant 0 : i32
    "tpu.region"() ({
      %run_scoped3A_378 = tpu.sem_alloc : memref<!tpu.dma_semaphore, #tpu.memory_space<semaphore_mem>>
      %dma_start3A_379 = arith.constant 0 : i32
      %dma_start3A_380 = arith.constant 0 : i32
      %dma_start3A_381 = tpu.memref_slice %arg11[%run_scoped3A_38, %dma_start3A_379, %dma_start3A_380] : memref<3x80x128xbf16, #tpu.memory_space<vmem>> -> memref<1x80x128xbf16, #tpu.memory_space<vmem>>
      %dma_start3A_382 = tpu.memref_squeeze %dma_start3A_381 : memref<1x80x128xbf16, #tpu.memory_space<vmem>> -> memref<80x128xbf16, #tpu.memory_space<vmem>>
      %dma_start3A_383 = arith.constant 0 : i32
      %dma_start3A_384 = tpu.memref_slice %arg8[%add3A_37, %dma_start3A_383] : memref<10240x128xbf16, #tpu.memory_space<vmem_shared>> -> memref<80x128xbf16, #tpu.memory_space<vmem_shared>>
      %dma_start3A_385 = arith.constant 0 : i32
      %dma_start3A_386 = tpu.memref_slice %arg8[%add3A_37, %dma_start3A_385] : memref<10240x128xbf16, #tpu.memory_space<vmem_shared>> -> memref<80x128xbf16, #tpu.memory_space<vmem_shared>>
      %dma_start3A_387 = arith.constant 0 : i32
      %dma_start3A_388 = arith.constant 0 : i32
      %dma_start3A_389 = tpu.memref_slice %arg11[%run_scoped3A_38, %dma_start3A_387, %dma_start3A_388] : memref<3x80x128xbf16, #tpu.memory_space<vmem>> -> memref<1x80x128xbf16, #tpu.memory_space<vmem>>
      %dma_start3A_390 = tpu.memref_squeeze %dma_start3A_389 : memref<1x80x128xbf16, #tpu.memory_space<vmem>> -> memref<80x128xbf16, #tpu.memory_space<vmem>>
      tpu.enqueue_dma source(%dma_start3A_390 : memref<80x128xbf16, #tpu.memory_space<vmem>>) target(%dma_start3A_386 : memref<80x128xbf16, #tpu.memory_space<vmem_shared>>) target_semaphore(%run_scoped3A_378 : memref<!tpu.dma_semaphore, #tpu.memory_space<semaphore_mem>>)
      %dma_wait3A_391 = arith.constant 0 : i32
      %dma_wait3A_392 = arith.constant 0 : i32
      %dma_wait3A_393 = tpu.memref_slice %arg11[%run_scoped3A_38, %dma_wait3A_391, %dma_wait3A_392] : memref<3x80x128xbf16, #tpu.memory_space<vmem>> -> memref<1x80x128xbf16, #tpu.memory_space<vmem>>
      %dma_wait3A_394 = tpu.memref_squeeze %dma_wait3A_393 : memref<1x80x128xbf16, #tpu.memory_space<vmem>> -> memref<80x128xbf16, #tpu.memory_space<vmem>>
      %dma_wait3A_395 = arith.constant 0 : i32
      %dma_wait3A_396 = tpu.memref_slice %arg8[%add3A_37, %dma_wait3A_395] : memref<10240x128xbf16, #tpu.memory_space<vmem_shared>> -> memref<80x128xbf16, #tpu.memory_space<vmem_shared>>
      %dma_wait3A_397 = arith.constant 0 : i32
      %dma_wait3A_398 = tpu.memref_slice %arg8[%add3A_37, %dma_wait3A_397] : memref<10240x128xbf16, #tpu.memory_space<vmem_shared>> -> memref<80x128xbf16, #tpu.memory_space<vmem_shared>>
      %dma_wait3A_399 = arith.constant 0 : i32
      %dma_wait3A_400 = arith.constant 0 : i32
      %dma_wait3A_401 = tpu.memref_slice %arg11[%run_scoped3A_38, %dma_wait3A_399, %dma_wait3A_400] : memref<3x80x128xbf16, #tpu.memory_space<vmem>> -> memref<1x80x128xbf16, #tpu.memory_space<vmem>>
      %dma_wait3A_402 = tpu.memref_squeeze %dma_wait3A_401 : memref<1x80x128xbf16, #tpu.memory_space<vmem>> -> memref<80x128xbf16, #tpu.memory_space<vmem>>
      tpu.wait_dma2 semaphore(%run_scoped3A_378 : memref<!tpu.dma_semaphore, #tpu.memory_space<semaphore_mem>>) src(%dma_wait3A_402 : memref<80x128xbf16, #tpu.memory_space<vmem>>) dst(%dma_wait3A_398 : memref<80x128xbf16, #tpu.memory_space<vmem_shared>>)
      tpu.yield
    }) : () -> ()
    %add3A_39 = arith.constant 160 : i32
    %add3A_40 = arith.addi %mul3A_8, %add3A_39 : i32
    %run_scoped3A_41 = arith.constant 0 : i32
    "tpu.region"() ({
      %run_scoped3A_378 = tpu.sem_alloc : memref<!tpu.dma_semaphore, #tpu.memory_space<semaphore_mem>>
      %dma_start3A_379 = arith.constant 0 : i32
      %dma_start3A_380 = arith.constant 0 : i32
      %dma_start3A_381 = tpu.memref_slice %arg11[%run_scoped3A_41, %dma_start3A_379, %dma_start3A_380] : memref<3x80x128xbf16, #tpu.memory_space<vmem>> -> memref<1x80x128xbf16, #tpu.memory_space<vmem>>
      %dma_start3A_382 = tpu.memref_squeeze %dma_start3A_381 : memref<1x80x128xbf16, #tpu.memory_space<vmem>> -> memref<80x128xbf16, #tpu.memory_space<vmem>>
      %dma_start3A_383 = arith.constant 0 : i32
      %dma_start3A_384 = tpu.memref_slice %arg8[%add3A_40, %dma_start3A_383] : memref<10240x128xbf16, #tpu.memory_space<vmem_shared>> -> memref<80x128xbf16, #tpu.memory_space<vmem_shared>>
      %dma_start3A_385 = arith.constant 0 : i32
      %dma_start3A_386 = tpu.memref_slice %arg8[%add3A_40, %dma_start3A_385] : memref<10240x128xbf16, #tpu.memory_space<vmem_shared>> -> memref<80x128xbf16, #tpu.memory_space<vmem_shared>>
      %dma_start3A_387 = arith.constant 0 : i32
      %dma_start3A_388 = arith.constant 0 : i32
      %dma_start3A_389 = tpu.memref_slice %arg11[%run_scoped3A_41, %dma_start3A_387, %dma_start3A_388] : memref<3x80x128xbf16, #tpu.memory_space<vmem>> -> memref<1x80x128xbf16, #tpu.memory_space<vmem>>
      %dma_start3A_390 = tpu.memref_squeeze %dma_start3A_389 : memref<1x80x128xbf16, #tpu.memory_space<vmem>> -> memref<80x128xbf16, #tpu.memory_space<vmem>>
      tpu.enqueue_dma source(%dma_start3A_390 : memref<80x128xbf16, #tpu.memory_space<vmem>>) target(%dma_start3A_386 : memref<80x128xbf16, #tpu.memory_space<vmem_shared>>) target_semaphore(%run_scoped3A_378 : memref<!tpu.dma_semaphore, #tpu.memory_space<semaphore_mem>>)
      %dma_wait3A_391 = arith.constant 0 : i32
      %dma_wait3A_392 = arith.constant 0 : i32
      %dma_wait3A_393 = tpu.memref_slice %arg11[%run_scoped3A_41, %dma_wait3A_391, %dma_wait3A_392] : memref<3x80x128xbf16, #tpu.memory_space<vmem>> -> memref<1x80x128xbf16, #tpu.memory_space<vmem>>
      %dma_wait3A_394 = tpu.memref_squeeze %dma_wait3A_393 : memref<1x80x128xbf16, #tpu.memory_space<vmem>> -> memref<80x128xbf16, #tpu.memory_space<vmem>>
      %dma_wait3A_395 = arith.constant 0 : i32
      %dma_wait3A_396 = tpu.memref_slice %arg8[%add3A_40, %dma_wait3A_395] : memref<10240x128xbf16, #tpu.memory_space<vmem_shared>> -> memref<80x128xbf16, #tpu.memory_space<vmem_shared>>
      %dma_wait3A_397 = arith.constant 0 : i32
      %dma_wait3A_398 = tpu.memref_slice %arg8[%add3A_40, %dma_wait3A_397] : memref<10240x128xbf16, #tpu.memory_space<vmem_shared>> -> memref<80x128xbf16, #tpu.memory_space<vmem_shared>>
      %dma_wait3A_399 = arith.constant 0 : i32
      %dma_wait3A_400 = arith.constant 0 : i32
      %dma_wait3A_401 = tpu.memref_slice %arg11[%run_scoped3A_41, %dma_wait3A_399, %dma_wait3A_400] : memref<3x80x128xbf16, #tpu.memory_space<vmem>> -> memref<1x80x128xbf16, #tpu.memory_space<vmem>>
      %dma_wait3A_402 = tpu.memref_squeeze %dma_wait3A_401 : memref<1x80x128xbf16, #tpu.memory_space<vmem>> -> memref<80x128xbf16, #tpu.memory_space<vmem>>
      tpu.wait_dma2 semaphore(%run_scoped3A_378 : memref<!tpu.dma_semaphore, #tpu.memory_space<semaphore_mem>>) src(%dma_wait3A_402 : memref<80x128xbf16, #tpu.memory_space<vmem>>) dst(%dma_wait3A_398 : memref<80x128xbf16, #tpu.memory_space<vmem_shared>>)
      tpu.yield
    }) : () -> ()
    %add3A_42 = arith.constant 240 : i32
    %add3A_43 = arith.addi %mul3A_8, %add3A_42 : i32
    %run_scoped3A_44 = arith.constant 0 : i32
    "tpu.region"() ({
      %run_scoped3A_378 = tpu.sem_alloc : memref<!tpu.dma_semaphore, #tpu.memory_space<semaphore_mem>>
      %dma_start3A_379 = arith.constant 0 : i32
      %dma_start3A_380 = arith.constant 0 : i32
      %dma_start3A_381 = tpu.memref_slice %arg11[%run_scoped3A_44, %dma_start3A_379, %dma_start3A_380] : memref<3x80x128xbf16, #tpu.memory_space<vmem>> -> memref<1x80x128xbf16, #tpu.memory_space<vmem>>
      %dma_start3A_382 = tpu.memref_squeeze %dma_start3A_381 : memref<1x80x128xbf16, #tpu.memory_space<vmem>> -> memref<80x128xbf16, #tpu.memory_space<vmem>>
      %dma_start3A_383 = arith.constant 0 : i32
      %dma_start3A_384 = tpu.memref_slice %arg8[%add3A_43, %dma_start3A_383] : memref<10240x128xbf16, #tpu.memory_space<vmem_shared>> -> memref<80x128xbf16, #tpu.memory_space<vmem_shared>>
      %dma_start3A_385 = arith.constant 0 : i32
      %dma_start3A_386 = tpu.memref_slice %arg8[%add3A_43, %dma_start3A_385] : memref<10240x128xbf16, #tpu.memory_space<vmem_shared>> -> memref<80x128xbf16, #tpu.memory_space<vmem_shared>>
      %dma_start3A_387 = arith.constant 0 : i32
      %dma_start3A_388 = arith.constant 0 : i32
      %dma_start3A_389 = tpu.memref_slice %arg11[%run_scoped3A_44, %dma_start3A_387, %dma_start3A_388] : memref<3x80x128xbf16, #tpu.memory_space<vmem>> -> memref<1x80x128xbf16, #tpu.memory_space<vmem>>
      %dma_start3A_390 = tpu.memref_squeeze %dma_start3A_389 : memref<1x80x128xbf16, #tpu.memory_space<vmem>> -> memref<80x128xbf16, #tpu.memory_space<vmem>>
      tpu.enqueue_dma source(%dma_start3A_390 : memref<80x128xbf16, #tpu.memory_space<vmem>>) target(%dma_start3A_386 : memref<80x128xbf16, #tpu.memory_space<vmem_shared>>) target_semaphore(%run_scoped3A_378 : memref<!tpu.dma_semaphore, #tpu.memory_space<semaphore_mem>>)
      %dma_wait3A_391 = arith.constant 0 : i32
      %dma_wait3A_392 = arith.constant 0 : i32
      %dma_wait3A_393 = tpu.memref_slice %arg11[%run_scoped3A_44, %dma_wait3A_391, %dma_wait3A_392] : memref<3x80x128xbf16, #tpu.memory_space<vmem>> -> memref<1x80x128xbf16, #tpu.memory_space<vmem>>
      %dma_wait3A_394 = tpu.memref_squeeze %dma_wait3A_393 : memref<1x80x128xbf16, #tpu.memory_space<vmem>> -> memref<80x128xbf16, #tpu.memory_space<vmem>>
      %dma_wait3A_395 = arith.constant 0 : i32
      %dma_wait3A_396 = tpu.memref_slice %arg8[%add3A_43, %dma_wait3A_395] : memref<10240x128xbf16, #tpu.memory_space<vmem_shared>> -> memref<80x128xbf16, #tpu.memory_space<vmem_shared>>
      %dma_wait3A_397 = arith.constant 0 : i32
      %dma_wait3A_398 = tpu.memref_slice %arg8[%add3A_43, %dma_wait3A_397] : memref<10240x128xbf16, #tpu.memory_space<vmem_shared>> -> memref<80x128xbf16, #tpu.memory_space<vmem_shared>>
      %dma_wait3A_399 = arith.constant 0 : i32
      %dma_wait3A_400 = arith.constant 0 : i32
      %dma_wait3A_401 = tpu.memref_slice %arg11[%run_scoped3A_44, %dma_wait3A_399, %dma_wait3A_400] : memref<3x80x128xbf16, #tpu.memory_space<vmem>> -> memref<1x80x128xbf16, #tpu.memory_space<vmem>>
      %dma_wait3A_402 = tpu.memref_squeeze %dma_wait3A_401 : memref<1x80x128xbf16, #tpu.memory_space<vmem>> -> memref<80x128xbf16, #tpu.memory_space<vmem>>
      tpu.wait_dma2 semaphore(%run_scoped3A_378 : memref<!tpu.dma_semaphore, #tpu.memory_space<semaphore_mem>>) src(%dma_wait3A_402 : memref<80x128xbf16, #tpu.memory_space<vmem>>) dst(%dma_wait3A_398 : memref<80x128xbf16, #tpu.memory_space<vmem_shared>>)
      tpu.yield
    }) : () -> ()
    %add3A_45 = arith.constant 320 : i32
    %add3A_46 = arith.addi %mul3A_8, %add3A_45 : i32
    %run_scoped3A_47 = arith.constant 0 : i32
    "tpu.region"() ({
      %run_scoped3A_378 = tpu.sem_alloc : memref<!tpu.dma_semaphore, #tpu.memory_space<semaphore_mem>>
      %dma_start3A_379 = arith.constant 0 : i32
      %dma_start3A_380 = arith.constant 0 : i32
      %dma_start3A_381 = tpu.memref_slice %arg11[%run_scoped3A_47, %dma_start3A_379, %dma_start3A_380] : memref<3x80x128xbf16, #tpu.memory_space<vmem>> -> memref<1x80x128xbf16, #tpu.memory_space<vmem>>
      %dma_start3A_382 = tpu.memref_squeeze %dma_start3A_381 : memref<1x80x128xbf16, #tpu.memory_space<vmem>> -> memref<80x128xbf16, #tpu.memory_space<vmem>>
      %dma_start3A_383 = arith.constant 0 : i32
      %dma_start3A_384 = tpu.memref_slice %arg8[%add3A_46, %dma_start3A_383] : memref<10240x128xbf16, #tpu.memory_space<vmem_shared>> -> memref<80x128xbf16, #tpu.memory_space<vmem_shared>>
      %dma_start3A_385 = arith.constant 0 : i32
      %dma_start3A_386 = tpu.memref_slice %arg8[%add3A_46, %dma_start3A_385] : memref<10240x128xbf16, #tpu.memory_space<vmem_shared>> -> memref<80x128xbf16, #tpu.memory_space<vmem_shared>>
      %dma_start3A_387 = arith.constant 0 : i32
      %dma_start3A_388 = arith.constant 0 : i32
      %dma_start3A_389 = tpu.memref_slice %arg11[%run_scoped3A_47, %dma_start3A_387, %dma_start3A_388] : memref<3x80x128xbf16, #tpu.memory_space<vmem>> -> memref<1x80x128xbf16, #tpu.memory_space<vmem>>
      %dma_start3A_390 = tpu.memref_squeeze %dma_start3A_389 : memref<1x80x128xbf16, #tpu.memory_space<vmem>> -> memref<80x128xbf16, #tpu.memory_space<vmem>>
      tpu.enqueue_dma source(%dma_start3A_390 : memref<80x128xbf16, #tpu.memory_space<vmem>>) target(%dma_start3A_386 : memref<80x128xbf16, #tpu.memory_space<vmem_shared>>) target_semaphore(%run_scoped3A_378 : memref<!tpu.dma_semaphore, #tpu.memory_space<semaphore_mem>>)
      %dma_wait3A_391 = arith.constant 0 : i32
      %dma_wait3A_392 = arith.constant 0 : i32
      %dma_wait3A_393 = tpu.memref_slice %arg11[%run_scoped3A_47, %dma_wait3A_391, %dma_wait3A_392] : memref<3x80x128xbf16, #tpu.memory_space<vmem>> -> memref<1x80x128xbf16, #tpu.memory_space<vmem>>
      %dma_wait3A_394 = tpu.memref_squeeze %dma_wait3A_393 : memref<1x80x128xbf16, #tpu.memory_space<vmem>> -> memref<80x128xbf16, #tpu.memory_space<vmem>>
      %dma_wait3A_395 = arith.constant 0 : i32
      %dma_wait3A_396 = tpu.memref_slice %arg8[%add3A_46, %dma_wait3A_395] : memref<10240x128xbf16, #tpu.memory_space<vmem_shared>> -> memref<80x128xbf16, #tpu.memory_space<vmem_shared>>
      %dma_wait3A_397 = arith.constant 0 : i32
      %dma_wait3A_398 = tpu.memref_slice %arg8[%add3A_46, %dma_wait3A_397] : memref<10240x128xbf16, #tpu.memory_space<vmem_shared>> -> memref<80x128xbf16, #tpu.memory_space<vmem_shared>>
      %dma_wait3A_399 = arith.constant 0 : i32
      %dma_wait3A_400 = arith.constant 0 : i32
      %dma_wait3A_401 = tpu.memref_slice %arg11[%run_scoped3A_47, %dma_wait3A_399, %dma_wait3A_400] : memref<3x80x128xbf16, #tpu.memory_space<vmem>> -> memref<1x80x128xbf16, #tpu.memory_space<vmem>>
      %dma_wait3A_402 = tpu.memref_squeeze %dma_wait3A_401 : memref<1x80x128xbf16, #tpu.memory_space<vmem>> -> memref<80x128xbf16, #tpu.memory_space<vmem>>
      tpu.wait_dma2 semaphore(%run_scoped3A_378 : memref<!tpu.dma_semaphore, #tpu.memory_space<semaphore_mem>>) src(%dma_wait3A_402 : memref<80x128xbf16, #tpu.memory_space<vmem>>) dst(%dma_wait3A_398 : memref<80x128xbf16, #tpu.memory_space<vmem_shared>>)
      tpu.yield
    }) : () -> ()
    %add3A_48 = arith.constant 400 : i32
    %add3A_49 = arith.addi %mul3A_8, %add3A_48 : i32
    %run_scoped3A_50 = arith.constant 0 : i32
    "tpu.region"() ({
      %run_scoped3A_378 = tpu.sem_alloc : memref<!tpu.dma_semaphore, #tpu.memory_space<semaphore_mem>>
      %dma_start3A_379 = arith.constant 0 : i32
      %dma_start3A_380 = arith.constant 0 : i32
      %dma_start3A_381 = tpu.memref_slice %arg11[%run_scoped3A_50, %dma_start3A_379, %dma_start3A_380] : memref<3x80x128xbf16, #tpu.memory_space<vmem>> -> memref<1x80x128xbf16, #tpu.memory_space<vmem>>
      %dma_start3A_382 = tpu.memref_squeeze %dma_start3A_381 : memref<1x80x128xbf16, #tpu.memory_space<vmem>> -> memref<80x128xbf16, #tpu.memory_space<vmem>>
      %dma_start3A_383 = arith.constant 0 : i32
      %dma_start3A_384 = tpu.memref_slice %arg8[%add3A_49, %dma_start3A_383] : memref<10240x128xbf16, #tpu.memory_space<vmem_shared>> -> memref<80x128xbf16, #tpu.memory_space<vmem_shared>>
      %dma_start3A_385 = arith.constant 0 : i32
      %dma_start3A_386 = tpu.memref_slice %arg8[%add3A_49, %dma_start3A_385] : memref<10240x128xbf16, #tpu.memory_space<vmem_shared>> -> memref<80x128xbf16, #tpu.memory_space<vmem_shared>>
      %dma_start3A_387 = arith.constant 0 : i32
      %dma_start3A_388 = arith.constant 0 : i32
      %dma_start3A_389 = tpu.memref_slice %arg11[%run_scoped3A_50, %dma_start3A_387, %dma_start3A_388] : memref<3x80x128xbf16, #tpu.memory_space<vmem>> -> memref<1x80x128xbf16, #tpu.memory_space<vmem>>
      %dma_start3A_390 = tpu.memref_squeeze %dma_start3A_389 : memref<1x80x128xbf16, #tpu.memory_space<vmem>> -> memref<80x128xbf16, #tpu.memory_space<vmem>>
      tpu.enqueue_dma source(%dma_start3A_390 : memref<80x128xbf16, #tpu.memory_space<vmem>>) target(%dma_start3A_386 : memref<80x128xbf16, #tpu.memory_space<vmem_shared>>) target_semaphore(%run_scoped3A_378 : memref<!tpu.dma_semaphore, #tpu.memory_space<semaphore_mem>>)
      %dma_wait3A_391 = arith.constant 0 : i32
      %dma_wait3A_392 = arith.constant 0 : i32
      %dma_wait3A_393 = tpu.memref_slice %arg11[%run_scoped3A_50, %dma_wait3A_391, %dma_wait3A_392] : memref<3x80x128xbf16, #tpu.memory_space<vmem>> -> memref<1x80x128xbf16, #tpu.memory_space<vmem>>
      %dma_wait3A_394 = tpu.memref_squeeze %dma_wait3A_393 : memref<1x80x128xbf16, #tpu.memory_space<vmem>> -> memref<80x128xbf16, #tpu.memory_space<vmem>>
      %dma_wait3A_395 = arith.constant 0 : i32
      %dma_wait3A_396 = tpu.memref_slice %arg8[%add3A_49, %dma_wait3A_395] : memref<10240x128xbf16, #tpu.memory_space<vmem_shared>> -> memref<80x128xbf16, #tpu.memory_space<vmem_shared>>
      %dma_wait3A_397 = arith.constant 0 : i32
      %dma_wait3A_398 = tpu.memref_slice %arg8[%add3A_49, %dma_wait3A_397] : memref<10240x128xbf16, #tpu.memory_space<vmem_shared>> -> memref<80x128xbf16, #tpu.memory_space<vmem_shared>>
      %dma_wait3A_399 = arith.constant 0 : i32
      %dma_wait3A_400 = arith.constant 0 : i32
      %dma_wait3A_401 = tpu.memref_slice %arg11[%run_scoped3A_50, %dma_wait3A_399, %dma_wait3A_400] : memref<3x80x128xbf16, #tpu.memory_space<vmem>> -> memref<1x80x128xbf16, #tpu.memory_space<vmem>>
      %dma_wait3A_402 = tpu.memref_squeeze %dma_wait3A_401 : memref<1x80x128xbf16, #tpu.memory_space<vmem>> -> memref<80x128xbf16, #tpu.memory_space<vmem>>
      tpu.wait_dma2 semaphore(%run_scoped3A_378 : memref<!tpu.dma_semaphore, #tpu.memory_space<semaphore_mem>>) src(%dma_wait3A_402 : memref<80x128xbf16, #tpu.memory_space<vmem>>) dst(%dma_wait3A_398 : memref<80x128xbf16, #tpu.memory_space<vmem_shared>>)
      tpu.yield
    }) : () -> ()
    %add3A_51 = arith.constant 480 : i32
    %add3A_52 = arith.addi %mul3A_8, %add3A_51 : i32
    %run_scoped3A_53 = arith.constant 0 : i32
    "tpu.region"() ({
      %run_scoped3A_378 = tpu.sem_alloc : memref<!tpu.dma_semaphore, #tpu.memory_space<semaphore_mem>>
      %dma_start3A_379 = arith.constant 0 : i32
      %dma_start3A_380 = arith.constant 0 : i32
      %dma_start3A_381 = tpu.memref_slice %arg11[%run_scoped3A_53, %dma_start3A_379, %dma_start3A_380] : memref<3x80x128xbf16, #tpu.memory_space<vmem>> -> memref<1x80x128xbf16, #tpu.memory_space<vmem>>
      %dma_start3A_382 = tpu.memref_squeeze %dma_start3A_381 : memref<1x80x128xbf16, #tpu.memory_space<vmem>> -> memref<80x128xbf16, #tpu.memory_space<vmem>>
      %dma_start3A_383 = arith.constant 0 : i32
      %dma_start3A_384 = tpu.memref_slice %arg8[%add3A_52, %dma_start3A_383] : memref<10240x128xbf16, #tpu.memory_space<vmem_shared>> -> memref<80x128xbf16, #tpu.memory_space<vmem_shared>>
      %dma_start3A_385 = arith.constant 0 : i32
      %dma_start3A_386 = tpu.memref_slice %arg8[%add3A_52, %dma_start3A_385] : memref<10240x128xbf16, #tpu.memory_space<vmem_shared>> -> memref<80x128xbf16, #tpu.memory_space<vmem_shared>>
      %dma_start3A_387 = arith.constant 0 : i32
      %dma_start3A_388 = arith.constant 0 : i32
      %dma_start3A_389 = tpu.memref_slice %arg11[%run_scoped3A_53, %dma_start3A_387, %dma_start3A_388] : memref<3x80x128xbf16, #tpu.memory_space<vmem>> -> memref<1x80x128xbf16, #tpu.memory_space<vmem>>
      %dma_start3A_390 = tpu.memref_squeeze %dma_start3A_389 : memref<1x80x128xbf16, #tpu.memory_space<vmem>> -> memref<80x128xbf16, #tpu.memory_space<vmem>>
      tpu.enqueue_dma source(%dma_start3A_390 : memref<80x128xbf16, #tpu.memory_space<vmem>>) target(%dma_start3A_386 : memref<80x128xbf16, #tpu.memory_space<vmem_shared>>) target_semaphore(%run_scoped3A_378 : memref<!tpu.dma_semaphore, #tpu.memory_space<semaphore_mem>>)
      %dma_wait3A_391 = arith.constant 0 : i32
      %dma_wait3A_392 = arith.constant 0 : i32
      %dma_wait3A_393 = tpu.memref_slice %arg11[%run_scoped3A_53, %dma_wait3A_391, %dma_wait3A_392] : memref<3x80x128xbf16, #tpu.memory_space<vmem>> -> memref<1x80x128xbf16, #tpu.memory_space<vmem>>
      %dma_wait3A_394 = tpu.memref_squeeze %dma_wait3A_393 : memref<1x80x128xbf16, #tpu.memory_space<vmem>> -> memref<80x128xbf16, #tpu.memory_space<vmem>>
      %dma_wait3A_395 = arith.constant 0 : i32
      %dma_wait3A_396 = tpu.memref_slice %arg8[%add3A_52, %dma_wait3A_395] : memref<10240x128xbf16, #tpu.memory_space<vmem_shared>> -> memref<80x128xbf16, #tpu.memory_space<vmem_shared>>
      %dma_wait3A_397 = arith.constant 0 : i32
      %dma_wait3A_398 = tpu.memref_slice %arg8[%add3A_52, %dma_wait3A_397] : memref<10240x128xbf16, #tpu.memory_space<vmem_shared>> -> memref<80x128xbf16, #tpu.memory_space<vmem_shared>>
      %dma_wait3A_399 = arith.constant 0 : i32
      %dma_wait3A_400 = arith.constant 0 : i32
      %dma_wait3A_401 = tpu.memref_slice %arg11[%run_scoped3A_53, %dma_wait3A_399, %dma_wait3A_400] : memref<3x80x128xbf16, #tpu.memory_space<vmem>> -> memref<1x80x128xbf16, #tpu.memory_space<vmem>>
      %dma_wait3A_402 = tpu.memref_squeeze %dma_wait3A_401 : memref<1x80x128xbf16, #tpu.memory_space<vmem>> -> memref<80x128xbf16, #tpu.memory_space<vmem>>
      tpu.wait_dma2 semaphore(%run_scoped3A_378 : memref<!tpu.dma_semaphore, #tpu.memory_space<semaphore_mem>>) src(%dma_wait3A_402 : memref<80x128xbf16, #tpu.memory_space<vmem>>) dst(%dma_wait3A_398 : memref<80x128xbf16, #tpu.memory_space<vmem_shared>>)
      tpu.yield
    }) : () -> ()
    %add3A_54 = arith.constant 560 : i32
    %add3A_55 = arith.addi %mul3A_8, %add3A_54 : i32
    %run_scoped3A_56 = arith.constant 0 : i32
    "tpu.region"() ({
      %run_scoped3A_378 = tpu.sem_alloc : memref<!tpu.dma_semaphore, #tpu.memory_space<semaphore_mem>>
      %dma_start3A_379 = arith.constant 0 : i32
      %dma_start3A_380 = arith.constant 0 : i32
      %dma_start3A_381 = tpu.memref_slice %arg11[%run_scoped3A_56, %dma_start3A_379, %dma_start3A_380] : memref<3x80x128xbf16, #tpu.memory_space<vmem>> -> memref<1x80x128xbf16, #tpu.memory_space<vmem>>
      %dma_start3A_382 = tpu.memref_squeeze %dma_start3A_381 : memref<1x80x128xbf16, #tpu.memory_space<vmem>> -> memref<80x128xbf16, #tpu.memory_space<vmem>>
      %dma_start3A_383 = arith.constant 0 : i32
      %dma_start3A_384 = tpu.memref_slice %arg8[%add3A_55, %dma_start3A_383] : memref<10240x128xbf16, #tpu.memory_space<vmem_shared>> -> memref<80x128xbf16, #tpu.memory_space<vmem_shared>>
      %dma_start3A_385 = arith.constant 0 : i32
      %dma_start3A_386 = tpu.memref_slice %arg8[%add3A_55, %dma_start3A_385] : memref<10240x128xbf16, #tpu.memory_space<vmem_shared>> -> memref<80x128xbf16, #tpu.memory_space<vmem_shared>>
      %dma_start3A_387 = arith.constant 0 : i32
      %dma_start3A_388 = arith.constant 0 : i32
      %dma_start3A_389 = tpu.memref_slice %arg11[%run_scoped3A_56, %dma_start3A_387, %dma_start3A_388] : memref<3x80x128xbf16, #tpu.memory_space<vmem>> -> memref<1x80x128xbf16, #tpu.memory_space<vmem>>
      %dma_start3A_390 = tpu.memref_squeeze %dma_start3A_389 : memref<1x80x128xbf16, #tpu.memory_space<vmem>> -> memref<80x128xbf16, #tpu.memory_space<vmem>>
      tpu.enqueue_dma source(%dma_start3A_390 : memref<80x128xbf16, #tpu.memory_space<vmem>>) target(%dma_start3A_386 : memref<80x128xbf16, #tpu.memory_space<vmem_shared>>) target_semaphore(%run_scoped3A_378 : memref<!tpu.dma_semaphore, #tpu.memory_space<semaphore_mem>>)
      %dma_wait3A_391 = arith.constant 0 : i32
      %dma_wait3A_392 = arith.constant 0 : i32
      %dma_wait3A_393 = tpu.memref_slice %arg11[%run_scoped3A_56, %dma_wait3A_391, %dma_wait3A_392] : memref<3x80x128xbf16, #tpu.memory_space<vmem>> -> memref<1x80x128xbf16, #tpu.memory_space<vmem>>
      %dma_wait3A_394 = tpu.memref_squeeze %dma_wait3A_393 : memref<1x80x128xbf16, #tpu.memory_space<vmem>> -> memref<80x128xbf16, #tpu.memory_space<vmem>>
      %dma_wait3A_395 = arith.constant 0 : i32
      %dma_wait3A_396 = tpu.memref_slice %arg8[%add3A_55, %dma_wait3A_395] : memref<10240x128xbf16, #tpu.memory_space<vmem_shared>> -> memref<80x128xbf16, #tpu.memory_space<vmem_shared>>
      %dma_wait3A_397 = arith.constant 0 : i32
      %dma_wait3A_398 = tpu.memref_slice %arg8[%add3A_55, %dma_wait3A_397] : memref<10240x128xbf16, #tpu.memory_space<vmem_shared>> -> memref<80x128xbf16, #tpu.memory_space<vmem_shared>>
      %dma_wait3A_399 = arith.constant 0 : i32
      %dma_wait3A_400 = arith.constant 0 : i32
      %dma_wait3A_401 = tpu.memref_slice %arg11[%run_scoped3A_56, %dma_wait3A_399, %dma_wait3A_400] : memref<3x80x128xbf16, #tpu.memory_space<vmem>> -> memref<1x80x128xbf16, #tpu.memory_space<vmem>>
      %dma_wait3A_402 = tpu.memref_squeeze %dma_wait3A_401 : memref<1x80x128xbf16, #tpu.memory_space<vmem>> -> memref<80x128xbf16, #tpu.memory_space<vmem>>
      tpu.wait_dma2 semaphore(%run_scoped3A_378 : memref<!tpu.dma_semaphore, #tpu.memory_space<semaphore_mem>>) src(%dma_wait3A_402 : memref<80x128xbf16, #tpu.memory_space<vmem>>) dst(%dma_wait3A_398 : memref<80x128xbf16, #tpu.memory_space<vmem_shared>>)
      tpu.yield
    }) : () -> ()
    %barrier3A = arith.constant 0 : index
    tpu.barrier barrier_id(%barrier3A)
    %broadcast_in_dim3A_57 = arith.constant 1.000000e+00 : f32
    %broadcast_in_dim3A_58 = vector.broadcast %broadcast_in_dim3A_57 : f32 to vector<16xf32>
    %dma_start3A = arith.constant 0 : i32
    %dma_start3A_59 = arith.constant 0 : i32
    %dma_start3A_60 = arith.constant 0 : i32
    %dma_start3A_61 = tpu.memref_slice %arg3[%dma_start3A, %add3A, %dma_start3A_59, %dma_start3A_60] : memref<2x32x125x80xi32, #tpu.memory_space<hbm>> -> memref<1x1x125x80xi32, #tpu.memory_space<hbm>>
    %dma_start3A_62 = tpu.memref_squeeze %dma_start3A_61 : memref<1x1x125x80xi32, #tpu.memory_space<hbm>> -> memref<125x80xi32, #tpu.memory_space<hbm>>
    %dma_start3A_63 = arith.constant 0 : i32
    %dma_start3A_64 = arith.constant 0 : i32
    %dma_start3A_65 = tpu.memref_slice %arg3[%dma_start3A, %add3A, %dma_start3A_63, %dma_start3A_64] : memref<2x32x125x80xi32, #tpu.memory_space<hbm>> -> memref<1x1x125x80xi32, #tpu.memory_space<hbm>>
    %dma_start3A_66 = tpu.memref_squeeze %dma_start3A_65 : memref<1x1x125x80xi32, #tpu.memory_space<hbm>> -> memref<125x80xi32, #tpu.memory_space<hbm>>
    tpu.enqueue_dma source(%dma_start3A_66 : memref<125x80xi32, #tpu.memory_space<hbm>>) target(%arg9 : memref<125x80xi32, #tpu.memory_space<vmem>>) target_semaphore(%arg13 : memref<!tpu.dma_semaphore, #tpu.memory_space<semaphore_mem>>)
    %dma_start3A_67 = arith.constant 1 : i32
    %dma_start3A_68 = arith.constant 0 : i32
    %dma_start3A_69 = arith.constant 0 : i32
    %dma_start3A_70 = tpu.memref_slice %arg3[%dma_start3A_67, %add3A, %dma_start3A_68, %dma_start3A_69] : memref<2x32x125x80xi32, #tpu.memory_space<hbm>> -> memref<1x1x125x80xi32, #tpu.memory_space<hbm>>
    %dma_start3A_71 = tpu.memref_squeeze %dma_start3A_70 : memref<1x1x125x80xi32, #tpu.memory_space<hbm>> -> memref<125x80xi32, #tpu.memory_space<hbm>>
    %dma_start3A_72 = arith.constant 0 : i32
    %dma_start3A_73 = arith.constant 0 : i32
    %dma_start3A_74 = tpu.memref_slice %arg3[%dma_start3A_67, %add3A, %dma_start3A_72, %dma_start3A_73] : memref<2x32x125x80xi32, #tpu.memory_space<hbm>> -> memref<1x1x125x80xi32, #tpu.memory_space<hbm>>
    %dma_start3A_75 = tpu.memref_squeeze %dma_start3A_74 : memref<1x1x125x80xi32, #tpu.memory_space<hbm>> -> memref<125x80xi32, #tpu.memory_space<hbm>>
    tpu.enqueue_dma source(%dma_start3A_75 : memref<125x80xi32, #tpu.memory_space<hbm>>) target(%arg10 : memref<125x80xi32, #tpu.memory_space<vmem>>) target_semaphore(%arg14 : memref<!tpu.dma_semaphore, #tpu.memory_space<semaphore_mem>>)
    %dma_wait3A = arith.constant 0 : i32
    %dma_wait3A_76 = arith.constant 0 : i32
    %dma_wait3A_77 = arith.constant 0 : i32
    %dma_wait3A_78 = tpu.memref_slice %arg3[%dma_wait3A, %add3A, %dma_wait3A_76, %dma_wait3A_77] : memref<2x32x125x80xi32, #tpu.memory_space<hbm>> -> memref<1x1x125x80xi32, #tpu.memory_space<hbm>>
    %dma_wait3A_79 = tpu.memref_squeeze %dma_wait3A_78 : memref<1x1x125x80xi32, #tpu.memory_space<hbm>> -> memref<125x80xi32, #tpu.memory_space<hbm>>
    %dma_wait3A_80 = arith.constant 0 : i32
    %dma_wait3A_81 = arith.constant 0 : i32
    %dma_wait3A_82 = tpu.memref_slice %arg3[%dma_wait3A, %add3A, %dma_wait3A_80, %dma_wait3A_81] : memref<2x32x125x80xi32, #tpu.memory_space<hbm>> -> memref<1x1x125x80xi32, #tpu.memory_space<hbm>>
    %dma_wait3A_83 = tpu.memref_squeeze %dma_wait3A_82 : memref<1x1x125x80xi32, #tpu.memory_space<hbm>> -> memref<125x80xi32, #tpu.memory_space<hbm>>
    tpu.wait_dma2 semaphore(%arg13 : memref<!tpu.dma_semaphore, #tpu.memory_space<semaphore_mem>>) src(%dma_wait3A_83 : memref<125x80xi32, #tpu.memory_space<hbm>>) dst(%arg9 : memref<125x80xi32, #tpu.memory_space<vmem>>)
    %dma_wait3A_84 = arith.constant 1 : i32
    %dma_wait3A_85 = arith.constant 0 : i32
    %dma_wait3A_86 = arith.constant 0 : i32
    %dma_wait3A_87 = tpu.memref_slice %arg3[%dma_wait3A_84, %add3A, %dma_wait3A_85, %dma_wait3A_86] : memref<2x32x125x80xi32, #tpu.memory_space<hbm>> -> memref<1x1x125x80xi32, #tpu.memory_space<hbm>>
    %dma_wait3A_88 = tpu.memref_squeeze %dma_wait3A_87 : memref<1x1x125x80xi32, #tpu.memory_space<hbm>> -> memref<125x80xi32, #tpu.memory_space<hbm>>
    %dma_wait3A_89 = arith.constant 0 : i32
    %dma_wait3A_90 = arith.constant 0 : i32
    %dma_wait3A_91 = tpu.memref_slice %arg3[%dma_wait3A_84, %add3A, %dma_wait3A_89, %dma_wait3A_90] : memref<2x32x125x80xi32, #tpu.memory_space<hbm>> -> memref<1x1x125x80xi32, #tpu.memory_space<hbm>>
    %dma_wait3A_92 = tpu.memref_squeeze %dma_wait3A_91 : memref<1x1x125x80xi32, #tpu.memory_space<hbm>> -> memref<125x80xi32, #tpu.memory_space<hbm>>
    tpu.wait_dma2 semaphore(%arg14 : memref<!tpu.dma_semaphore, #tpu.memory_space<semaphore_mem>>) src(%dma_wait3A_92 : memref<125x80xi32, #tpu.memory_space<hbm>>) dst(%arg10 : memref<125x80xi32, #tpu.memory_space<vmem>>)
    %dma_start3A_93 = arith.constant 0 : i32
    %dma_start3A_94 = arith.constant 0 : i32
    %dma_start3A_95 = arith.constant 0 : i32
    %dma_start3A_96 = arith.constant 0 : i32
    %dma_start3A_97 = tpu.memref_slice %arg11[%dma_start3A_94, %dma_start3A_95, %dma_start3A_96] : memref<3x80x128xbf16, #tpu.memory_space<vmem>> -> memref<1x80x128xbf16, #tpu.memory_space<vmem>>
    %dma_start3A_98 = tpu.memref_squeeze %dma_start3A_97 : memref<1x80x128xbf16, #tpu.memory_space<vmem>> -> memref<80x128xbf16, #tpu.memory_space<vmem>>
    %dma_start3A_99 = arith.constant 0 : i32
    %dma_start3A_100 = tpu.memref_slice %arg9[%dma_start3A_93, %dma_start3A_99] : memref<125x80xi32, #tpu.memory_space<vmem>> -> memref<1x80xi32, #tpu.memory_space<vmem>>
    %dma_start3A_101 = tpu.memref_squeeze %dma_start3A_100 : memref<1x80xi32, #tpu.memory_space<vmem>> -> memref<80xi32, #tpu.memory_space<vmem>>
    %dma_start3A_102 = arith.constant 0 : i32
    %dma_start3A_103 = arith.constant 0 : i32
    %dma_start3A_104 = tpu.memref_slice %arg2[%dma_start3A_102, %dma_start3A_103] : memref<10000x128xbf16, #tpu.memory_space<hbm>> -> memref<10000x128xbf16, #tpu.memory_space<hbm>>
    tpu.enqueue_indirect_dma source(%dma_start3A_104 : memref<10000x128xbf16, #tpu.memory_space<hbm>>) target(%dma_start3A_98 : memref<80x128xbf16, #tpu.memory_space<vmem>>) offsets(%dma_start3A_101 : memref<80xi32, #tpu.memory_space<vmem>>) semaphore(%arg13 : memref<!tpu.dma_semaphore, #tpu.memory_space<semaphore_mem>>)
    %dma_start3A_105 = arith.constant 1 : i32
    %dma_start3A_106 = arith.constant 1 : i32
    %dma_start3A_107 = arith.constant 0 : i32
    %dma_start3A_108 = arith.constant 0 : i32
    %dma_start3A_109 = tpu.memref_slice %arg11[%dma_start3A_106, %dma_start3A_107, %dma_start3A_108] : memref<3x80x128xbf16, #tpu.memory_space<vmem>> -> memref<1x80x128xbf16, #tpu.memory_space<vmem>>
    %dma_start3A_110 = tpu.memref_squeeze %dma_start3A_109 : memref<1x80x128xbf16, #tpu.memory_space<vmem>> -> memref<80x128xbf16, #tpu.memory_space<vmem>>
    %dma_start3A_111 = arith.constant 0 : i32
    %dma_start3A_112 = tpu.memref_slice %arg9[%dma_start3A_105, %dma_start3A_111] : memref<125x80xi32, #tpu.memory_space<vmem>> -> memref<1x80xi32, #tpu.memory_space<vmem>>
    %dma_start3A_113 = tpu.memref_squeeze %dma_start3A_112 : memref<1x80xi32, #tpu.memory_space<vmem>> -> memref<80xi32, #tpu.memory_space<vmem>>
    %dma_start3A_114 = arith.constant 0 : i32
    %dma_start3A_115 = arith.constant 0 : i32
    %dma_start3A_116 = tpu.memref_slice %arg2[%dma_start3A_114, %dma_start3A_115] : memref<10000x128xbf16, #tpu.memory_space<hbm>> -> memref<10000x128xbf16, #tpu.memory_space<hbm>>
    tpu.enqueue_indirect_dma source(%dma_start3A_116 : memref<10000x128xbf16, #tpu.memory_space<hbm>>) target(%dma_start3A_110 : memref<80x128xbf16, #tpu.memory_space<vmem>>) offsets(%dma_start3A_113 : memref<80xi32, #tpu.memory_space<vmem>>) semaphore(%arg14 : memref<!tpu.dma_semaphore, #tpu.memory_space<semaphore_mem>>)
    %dma_start3A_117 = arith.constant 2 : i32
    %dma_start3A_118 = arith.constant 2 : i32
    %dma_start3A_119 = arith.constant 0 : i32
    %dma_start3A_120 = arith.constant 0 : i32
    %dma_start3A_121 = tpu.memref_slice %arg11[%dma_start3A_118, %dma_start3A_119, %dma_start3A_120] : memref<3x80x128xbf16, #tpu.memory_space<vmem>> -> memref<1x80x128xbf16, #tpu.memory_space<vmem>>
    %dma_start3A_122 = tpu.memref_squeeze %dma_start3A_121 : memref<1x80x128xbf16, #tpu.memory_space<vmem>> -> memref<80x128xbf16, #tpu.memory_space<vmem>>
    %dma_start3A_123 = arith.constant 0 : i32
    %dma_start3A_124 = tpu.memref_slice %arg9[%dma_start3A_117, %dma_start3A_123] : memref<125x80xi32, #tpu.memory_space<vmem>> -> memref<1x80xi32, #tpu.memory_space<vmem>>
    %dma_start3A_125 = tpu.memref_squeeze %dma_start3A_124 : memref<1x80xi32, #tpu.memory_space<vmem>> -> memref<80xi32, #tpu.memory_space<vmem>>
    %dma_start3A_126 = arith.constant 0 : i32
    %dma_start3A_127 = arith.constant 0 : i32
    %dma_start3A_128 = tpu.memref_slice %arg2[%dma_start3A_126, %dma_start3A_127] : memref<10000x128xbf16, #tpu.memory_space<hbm>> -> memref<10000x128xbf16, #tpu.memory_space<hbm>>
    tpu.enqueue_indirect_dma source(%dma_start3A_128 : memref<10000x128xbf16, #tpu.memory_space<hbm>>) target(%dma_start3A_122 : memref<80x128xbf16, #tpu.memory_space<vmem>>) offsets(%dma_start3A_125 : memref<80xi32, #tpu.memory_space<vmem>>) semaphore(%arg15 : memref<!tpu.dma_semaphore, #tpu.memory_space<semaphore_mem>>)
    %scan3A_129 = arith.constant 0 : i32
    %scan3A_130 = arith.constant 0 : i32
    %scan3A_131 = arith.constant 20 : i32
    %scan3A_132 = arith.addi %scan3A_130, %scan3A_131 : i32
    %scan3A_133 = arith.constant 1 : i32
    scf.for %scan3A_378 = %scan3A_130 to %scan3A_132 step %scan3A_133  : i32 {
      %mul3A_379 = arith.constant 6 : i32
      %mul3A_380 = arith.muli %mul3A_379, %scan3A_378 : i32
      %add3A_381 = arith.constant 0 : i32
      %add3A_382 = arith.addi %mul3A_380, %add3A_381 : i32
      %add3A_383 = arith.constant 0 : i32
      %add3A_384 = arith.addi %add3A_382, %add3A_383 : i32
      %dma_wait3A_385 = arith.constant 0 : i32
      %dma_wait3A_386 = arith.constant 0 : i32
      %dma_wait3A_387 = arith.constant 0 : i32
      %dma_wait3A_388 = tpu.memref_slice %arg11[%dma_wait3A_385, %dma_wait3A_386, %dma_wait3A_387] : memref<3x80x128xbf16, #tpu.memory_space<vmem>> -> memref<1x80x128xbf16, #tpu.memory_space<vmem>>
      %dma_wait3A_389 = tpu.memref_squeeze %dma_wait3A_388 : memref<1x80x128xbf16, #tpu.memory_space<vmem>> -> memref<80x128xbf16, #tpu.memory_space<vmem>>
      %dma_wait3A_390 = arith.constant 0 : i32
      %dma_wait3A_391 = tpu.memref_slice %arg9[%add3A_384, %dma_wait3A_390] : memref<125x80xi32, #tpu.memory_space<vmem>> -> memref<1x80xi32, #tpu.memory_space<vmem>>
      %dma_wait3A_392 = tpu.memref_squeeze %dma_wait3A_391 : memref<1x80xi32, #tpu.memory_space<vmem>> -> memref<80xi32, #tpu.memory_space<vmem>>
      %dma_wait3A_393 = arith.constant 0 : i32
      %dma_wait3A_394 = arith.constant 0 : i32
      %dma_wait3A_395 = tpu.memref_slice %arg2[%dma_wait3A_393, %dma_wait3A_394] : memref<10000x128xbf16, #tpu.memory_space<hbm>> -> memref<10000x128xbf16, #tpu.memory_space<hbm>>
      tpu.wait_indirect_dma semaphore(%arg13 : memref<!tpu.dma_semaphore, #tpu.memory_space<semaphore_mem>>) src(%dma_wait3A_395 : memref<10000x128xbf16, #tpu.memory_space<hbm>>) dst(%dma_wait3A_389 : memref<80x128xbf16, #tpu.memory_space<vmem>>)
      %dma_start3A_396 = arith.constant 0 : i32
      %dma_start3A_397 = arith.constant 0 : i32
      %dma_start3A_398 = arith.constant 0 : i32
      %dma_start3A_399 = tpu.memref_slice %arg11[%dma_start3A_396, %dma_start3A_397, %dma_start3A_398] : memref<3x80x128xbf16, #tpu.memory_space<vmem>> -> memref<1x80x128xbf16, #tpu.memory_space<vmem>>
      %dma_start3A_400 = tpu.memref_squeeze %dma_start3A_399 : memref<1x80x128xbf16, #tpu.memory_space<vmem>> -> memref<80x128xbf16, #tpu.memory_space<vmem>>
      %dma_start3A_401 = arith.constant 0 : i32
      %dma_start3A_402 = tpu.memref_slice %arg10[%add3A_384, %dma_start3A_401] : memref<125x80xi32, #tpu.memory_space<vmem>> -> memref<1x80xi32, #tpu.memory_space<vmem>>
      %dma_start3A_403 = tpu.memref_squeeze %dma_start3A_402 : memref<1x80xi32, #tpu.memory_space<vmem>> -> memref<80xi32, #tpu.memory_space<vmem>>
      %dma_start3A_404 = arith.constant 0 : i32
      %dma_start3A_405 = arith.constant 0 : i32
      %dma_start3A_406 = tpu.memref_slice %arg7[%dma_start3A_404, %dma_start3A_405] : memref<10240x128xbf16, #tpu.memory_space<vmem_shared>> -> memref<10240x128xbf16, #tpu.memory_space<vmem_shared>>
      tpu.enqueue_indirect_dma source(%dma_start3A_400 : memref<80x128xbf16, #tpu.memory_space<vmem>>) target(%dma_start3A_406 : memref<10240x128xbf16, #tpu.memory_space<vmem_shared>>) offsets(%dma_start3A_403 : memref<80xi32, #tpu.memory_space<vmem>>) semaphore(%arg16 : memref<!tpu.dma_semaphore, #tpu.memory_space<semaphore_mem>>) {add = true}
      %scan3A_407 = arith.constant 0 : i32
      %scan3A_408 = arith.constant 0 : i32
      %scan3A_409 = arith.constant 5 : i32
      %scan3A_410 = arith.addi %scan3A_408, %scan3A_409 : i32
      %scan3A_411 = arith.constant 1 : i32
      scf.for %scan3A_741 = %scan3A_408 to %scan3A_410 step %scan3A_411  : i32 {
        %mul3A_742 = arith.constant 16 : i32
        %mul3A_743 = arith.muli %scan3A_741, %mul3A_742 : i32
        %get3A = arith.index_cast %add3A_384 : i32 to index
        %get3A_744 = arith.index_cast %mul3A_743 : i32 to index
        %get3A_745 = tpu.vector_load %arg10[%get3A, %get3A_744] {strides = array<i32>} : memref<125x80xi32, #tpu.memory_space<vmem>>, vector<16xi32>,
        tpu.vector_store_idx %arg12[%get3A_745], %broadcast_in_dim3A_58 {add = true} : memref<10240xf32, #tpu.memory_space<vmem>>[vector<16xi32>], vector<16xf32>,
      }
      %scan3A_412 = arith.constant 5 : i32
      %add3A_413 = arith.constant 0 : i32
      %add3A_414 = arith.addi %mul3A_380, %add3A_413 : i32
      %add3A_415 = arith.constant 1 : i32
      %add3A_416 = arith.addi %add3A_414, %add3A_415 : i32
      %dma_wait3A_417 = arith.constant 1 : i32
      %dma_wait3A_418 = arith.constant 0 : i32
      %dma_wait3A_419 = arith.constant 0 : i32
      %dma_wait3A_420 = tpu.memref_slice %arg11[%dma_wait3A_417, %dma_wait3A_418, %dma_wait3A_419] : memref<3x80x128xbf16, #tpu.memory_space<vmem>> -> memref<1x80x128xbf16, #tpu.memory_space<vmem>>
      %dma_wait3A_421 = tpu.memref_squeeze %dma_wait3A_420 : memref<1x80x128xbf16, #tpu.memory_space<vmem>> -> memref<80x128xbf16, #tpu.memory_space<vmem>>
      %dma_wait3A_422 = arith.constant 0 : i32
      %dma_wait3A_423 = tpu.memref_slice %arg9[%add3A_416, %dma_wait3A_422] : memref<125x80xi32, #tpu.memory_space<vmem>> -> memref<1x80xi32, #tpu.memory_space<vmem>>
      %dma_wait3A_424 = tpu.memref_squeeze %dma_wait3A_423 : memref<1x80xi32, #tpu.memory_space<vmem>> -> memref<80xi32, #tpu.memory_space<vmem>>
      %dma_wait3A_425 = arith.constant 0 : i32
      %dma_wait3A_426 = arith.constant 0 : i32
      %dma_wait3A_427 = tpu.memref_slice %arg2[%dma_wait3A_425, %dma_wait3A_426] : memref<10000x128xbf16, #tpu.memory_space<hbm>> -> memref<10000x128xbf16, #tpu.memory_space<hbm>>
      tpu.wait_indirect_dma semaphore(%arg14 : memref<!tpu.dma_semaphore, #tpu.memory_space<semaphore_mem>>) src(%dma_wait3A_427 : memref<10000x128xbf16, #tpu.memory_space<hbm>>) dst(%dma_wait3A_421 : memref<80x128xbf16, #tpu.memory_space<vmem>>)
      %dma_start3A_428 = arith.constant 1 : i32
      %dma_start3A_429 = arith.constant 0 : i32
      %dma_start3A_430 = arith.constant 0 : i32
      %dma_start3A_431 = tpu.memref_slice %arg11[%dma_start3A_428, %dma_start3A_429, %dma_start3A_430] : memref<3x80x128xbf16, #tpu.memory_space<vmem>> -> memref<1x80x128xbf16, #tpu.memory_space<vmem>>
      %dma_start3A_432 = tpu.memref_squeeze %dma_start3A_431 : memref<1x80x128xbf16, #tpu.memory_space<vmem>> -> memref<80x128xbf16, #tpu.memory_space<vmem>>
      %dma_start3A_433 = arith.constant 0 : i32
      %dma_start3A_434 = tpu.memref_slice %arg10[%add3A_416, %dma_start3A_433] : memref<125x80xi32, #tpu.memory_space<vmem>> -> memref<1x80xi32, #tpu.memory_space<vmem>>
      %dma_start3A_435 = tpu.memref_squeeze %dma_start3A_434 : memref<1x80xi32, #tpu.memory_space<vmem>> -> memref<80xi32, #tpu.memory_space<vmem>>
      %dma_start3A_436 = arith.constant 0 : i32
      %dma_start3A_437 = arith.constant 0 : i32
      %dma_start3A_438 = tpu.memref_slice %arg8[%dma_start3A_436, %dma_start3A_437] : memref<10240x128xbf16, #tpu.memory_space<vmem_shared>> -> memref<10240x128xbf16, #tpu.memory_space<vmem_shared>>
      tpu.enqueue_indirect_dma source(%dma_start3A_432 : memref<80x128xbf16, #tpu.memory_space<vmem>>) target(%dma_start3A_438 : memref<10240x128xbf16, #tpu.memory_space<vmem_shared>>) offsets(%dma_start3A_435 : memref<80xi32, #tpu.memory_space<vmem>>) semaphore(%arg17 : memref<!tpu.dma_semaphore, #tpu.memory_space<semaphore_mem>>) {add = true}
      %scan3A_439 = arith.constant 0 : i32
      %scan3A_440 = arith.constant 0 : i32
      %scan3A_441 = arith.constant 5 : i32
      %scan3A_442 = arith.addi %scan3A_440, %scan3A_441 : i32
      %scan3A_443 = arith.constant 1 : i32
      scf.for %scan3A_741 = %scan3A_440 to %scan3A_442 step %scan3A_443  : i32 {
        %mul3A_742 = arith.constant 16 : i32
        %mul3A_743 = arith.muli %scan3A_741, %mul3A_742 : i32
        %get3A = arith.index_cast %add3A_416 : i32 to index
        %get3A_744 = arith.index_cast %mul3A_743 : i32 to index
        %get3A_745 = tpu.vector_load %arg10[%get3A, %get3A_744] {strides = array<i32>} : memref<125x80xi32, #tpu.memory_space<vmem>>, vector<16xi32>,
        tpu.vector_store_idx %arg12[%get3A_745], %broadcast_in_dim3A_58 {add = true} : memref<10240xf32, #tpu.memory_space<vmem>>[vector<16xi32>], vector<16xf32>,
      }
      %scan3A_444 = arith.constant 5 : i32
      %add3A_445 = arith.constant 0 : i32
      %add3A_446 = arith.addi %mul3A_380, %add3A_445 : i32
      %add3A_447 = arith.constant 2 : i32
      %add3A_448 = arith.addi %add3A_446, %add3A_447 : i32
      %dma_wait3A_449 = arith.constant 2 : i32
      %dma_wait3A_450 = arith.constant 0 : i32
      %dma_wait3A_451 = arith.constant 0 : i32
      %dma_wait3A_452 = tpu.memref_slice %arg11[%dma_wait3A_449, %dma_wait3A_450, %dma_wait3A_451] : memref<3x80x128xbf16, #tpu.memory_space<vmem>> -> memref<1x80x128xbf16, #tpu.memory_space<vmem>>
      %dma_wait3A_453 = tpu.memref_squeeze %dma_wait3A_452 : memref<1x80x128xbf16, #tpu.memory_space<vmem>> -> memref<80x128xbf16, #tpu.memory_space<vmem>>
      %dma_wait3A_454 = arith.constant 0 : i32
      %dma_wait3A_455 = tpu.memref_slice %arg9[%add3A_448, %dma_wait3A_454] : memref<125x80xi32, #tpu.memory_space<vmem>> -> memref<1x80xi32, #tpu.memory_space<vmem>>
      %dma_wait3A_456 = tpu.memref_squeeze %dma_wait3A_455 : memref<1x80xi32, #tpu.memory_space<vmem>> -> memref<80xi32, #tpu.memory_space<vmem>>
      %dma_wait3A_457 = arith.constant 0 : i32
      %dma_wait3A_458 = arith.constant 0 : i32
      %dma_wait3A_459 = tpu.memref_slice %arg2[%dma_wait3A_457, %dma_wait3A_458] : memref<10000x128xbf16, #tpu.memory_space<hbm>> -> memref<10000x128xbf16, #tpu.memory_space<hbm>>
      tpu.wait_indirect_dma semaphore(%arg15 : memref<!tpu.dma_semaphore, #tpu.memory_space<semaphore_mem>>) src(%dma_wait3A_459 : memref<10000x128xbf16, #tpu.memory_space<hbm>>) dst(%dma_wait3A_453 : memref<80x128xbf16, #tpu.memory_space<vmem>>)
      %dma_start3A_460 = arith.constant 2 : i32
      %dma_start3A_461 = arith.constant 0 : i32
      %dma_start3A_462 = arith.constant 0 : i32
      %dma_start3A_463 = tpu.memref_slice %arg11[%dma_start3A_460, %dma_start3A_461, %dma_start3A_462] : memref<3x80x128xbf16, #tpu.memory_space<vmem>> -> memref<1x80x128xbf16, #tpu.memory_space<vmem>>
      %dma_start3A_464 = tpu.memref_squeeze %dma_start3A_463 : memref<1x80x128xbf16, #tpu.memory_space<vmem>> -> memref<80x128xbf16, #tpu.memory_space<vmem>>
      %dma_start3A_465 = arith.constant 0 : i32
      %dma_start3A_466 = tpu.memref_slice %arg10[%add3A_448, %dma_start3A_465] : memref<125x80xi32, #tpu.memory_space<vmem>> -> memref<1x80xi32, #tpu.memory_space<vmem>>
      %dma_start3A_467 = tpu.memref_squeeze %dma_start3A_466 : memref<1x80xi32, #tpu.memory_space<vmem>> -> memref<80xi32, #tpu.memory_space<vmem>>
      %dma_start3A_468 = arith.constant 0 : i32
      %dma_start3A_469 = arith.constant 0 : i32
      %dma_start3A_470 = tpu.memref_slice %arg7[%dma_start3A_468, %dma_start3A_469] : memref<10240x128xbf16, #tpu.memory_space<vmem_shared>> -> memref<10240x128xbf16, #tpu.memory_space<vmem_shared>>
      tpu.enqueue_indirect_dma source(%dma_start3A_464 : memref<80x128xbf16, #tpu.memory_space<vmem>>) target(%dma_start3A_470 : memref<10240x128xbf16, #tpu.memory_space<vmem_shared>>) offsets(%dma_start3A_467 : memref<80xi32, #tpu.memory_space<vmem>>) semaphore(%arg18 : memref<!tpu.dma_semaphore, #tpu.memory_space<semaphore_mem>>) {add = true}
      %scan3A_471 = arith.constant 0 : i32
      %scan3A_472 = arith.constant 0 : i32
      %scan3A_473 = arith.constant 5 : i32
      %scan3A_474 = arith.addi %scan3A_472, %scan3A_473 : i32
      %scan3A_475 = arith.constant 1 : i32
      scf.for %scan3A_741 = %scan3A_472 to %scan3A_474 step %scan3A_475  : i32 {
        %mul3A_742 = arith.constant 16 : i32
        %mul3A_743 = arith.muli %scan3A_741, %mul3A_742 : i32
        %get3A = arith.index_cast %add3A_448 : i32 to index
        %get3A_744 = arith.index_cast %mul3A_743 : i32 to index
        %get3A_745 = tpu.vector_load %arg10[%get3A, %get3A_744] {strides = array<i32>} : memref<125x80xi32, #tpu.memory_space<vmem>>, vector<16xi32>,
        tpu.vector_store_idx %arg12[%get3A_745], %broadcast_in_dim3A_58 {add = true} : memref<10240xf32, #tpu.memory_space<vmem>>[vector<16xi32>], vector<16xf32>,
      }
      %scan3A_476 = arith.constant 5 : i32
      %add3A_477 = arith.constant 0 : i32
      %add3A_478 = arith.addi %mul3A_380, %add3A_477 : i32
      %add3A_479 = arith.constant 0 : i32
      %add3A_480 = arith.addi %add3A_478, %add3A_479 : i32
      %dma_wait3A_481 = arith.constant 0 : i32
      %dma_wait3A_482 = arith.constant 0 : i32
      %dma_wait3A_483 = arith.constant 0 : i32
      %dma_wait3A_484 = tpu.memref_slice %arg11[%dma_wait3A_481, %dma_wait3A_482, %dma_wait3A_483] : memref<3x80x128xbf16, #tpu.memory_space<vmem>> -> memref<1x80x128xbf16, #tpu.memory_space<vmem>>
      %dma_wait3A_485 = tpu.memref_squeeze %dma_wait3A_484 : memref<1x80x128xbf16, #tpu.memory_space<vmem>> -> memref<80x128xbf16, #tpu.memory_space<vmem>>
      %dma_wait3A_486 = arith.constant 0 : i32
      %dma_wait3A_487 = tpu.memref_slice %arg10[%add3A_480, %dma_wait3A_486] : memref<125x80xi32, #tpu.memory_space<vmem>> -> memref<1x80xi32, #tpu.memory_space<vmem>>
      %dma_wait3A_488 = tpu.memref_squeeze %dma_wait3A_487 : memref<1x80xi32, #tpu.memory_space<vmem>> -> memref<80xi32, #tpu.memory_space<vmem>>
      %dma_wait3A_489 = arith.constant 0 : i32
      %dma_wait3A_490 = arith.constant 0 : i32
      %dma_wait3A_491 = tpu.memref_slice %arg7[%dma_wait3A_489, %dma_wait3A_490] : memref<10240x128xbf16, #tpu.memory_space<vmem_shared>> -> memref<10240x128xbf16, #tpu.memory_space<vmem_shared>>
      tpu.wait_indirect_dma semaphore(%arg16 : memref<!tpu.dma_semaphore, #tpu.memory_space<semaphore_mem>>) src(%dma_wait3A_485 : memref<80x128xbf16, #tpu.memory_space<vmem>>) dst(%dma_wait3A_491 : memref<10240x128xbf16, #tpu.memory_space<vmem_shared>>)
      %add3A_492 = arith.constant 3 : i32
      %add3A_493 = arith.addi %add3A_480, %add3A_492 : i32
      %dma_start3A_494 = arith.constant 0 : i32
      %dma_start3A_495 = arith.constant 0 : i32
      %dma_start3A_496 = arith.constant 0 : i32
      %dma_start3A_497 = tpu.memref_slice %arg11[%dma_start3A_494, %dma_start3A_495, %dma_start3A_496] : memref<3x80x128xbf16, #tpu.memory_space<vmem>> -> memref<1x80x128xbf16, #tpu.memory_space<vmem>>
      %dma_start3A_498 = tpu.memref_squeeze %dma_start3A_497 : memref<1x80x128xbf16, #tpu.memory_space<vmem>> -> memref<80x128xbf16, #tpu.memory_space<vmem>>
      %dma_start3A_499 = arith.constant 0 : i32
      %dma_start3A_500 = tpu.memref_slice %arg9[%add3A_493, %dma_start3A_499] : memref<125x80xi32, #tpu.memory_space<vmem>> -> memref<1x80xi32, #tpu.memory_space<vmem>>
      %dma_start3A_501 = tpu.memref_squeeze %dma_start3A_500 : memref<1x80xi32, #tpu.memory_space<vmem>> -> memref<80xi32, #tpu.memory_space<vmem>>
      %dma_start3A_502 = arith.constant 0 : i32
      %dma_start3A_503 = arith.constant 0 : i32
      %dma_start3A_504 = tpu.memref_slice %arg2[%dma_start3A_502, %dma_start3A_503] : memref<10000x128xbf16, #tpu.memory_space<hbm>> -> memref<10000x128xbf16, #tpu.memory_space<hbm>>
      tpu.enqueue_indirect_dma source(%dma_start3A_504 : memref<10000x128xbf16, #tpu.memory_space<hbm>>) target(%dma_start3A_498 : memref<80x128xbf16, #tpu.memory_space<vmem>>) offsets(%dma_start3A_501 : memref<80xi32, #tpu.memory_space<vmem>>) semaphore(%arg13 : memref<!tpu.dma_semaphore, #tpu.memory_space<semaphore_mem>>)
      %add3A_505 = arith.constant 0 : i32
      %add3A_506 = arith.addi %mul3A_380, %add3A_505 : i32
      %add3A_507 = arith.constant 1 : i32
      %add3A_508 = arith.addi %add3A_506, %add3A_507 : i32
      %dma_wait3A_509 = arith.constant 1 : i32
      %dma_wait3A_510 = arith.constant 0 : i32
      %dma_wait3A_511 = arith.constant 0 : i32
      %dma_wait3A_512 = tpu.memref_slice %arg11[%dma_wait3A_509, %dma_wait3A_510, %dma_wait3A_511] : memref<3x80x128xbf16, #tpu.memory_space<vmem>> -> memref<1x80x128xbf16, #tpu.memory_space<vmem>>
      %dma_wait3A_513 = tpu.memref_squeeze %dma_wait3A_512 : memref<1x80x128xbf16, #tpu.memory_space<vmem>> -> memref<80x128xbf16, #tpu.memory_space<vmem>>
      %dma_wait3A_514 = arith.constant 0 : i32
      %dma_wait3A_515 = tpu.memref_slice %arg10[%add3A_508, %dma_wait3A_514] : memref<125x80xi32, #tpu.memory_space<vmem>> -> memref<1x80xi32, #tpu.memory_space<vmem>>
      %dma_wait3A_516 = tpu.memref_squeeze %dma_wait3A_515 : memref<1x80xi32, #tpu.memory_space<vmem>> -> memref<80xi32, #tpu.memory_space<vmem>>
      %dma_wait3A_517 = arith.constant 0 : i32
      %dma_wait3A_518 = arith.constant 0 : i32
      %dma_wait3A_519 = tpu.memref_slice %arg8[%dma_wait3A_517, %dma_wait3A_518] : memref<10240x128xbf16, #tpu.memory_space<vmem_shared>> -> memref<10240x128xbf16, #tpu.memory_space<vmem_shared>>
      tpu.wait_indirect_dma semaphore(%arg17 : memref<!tpu.dma_semaphore, #tpu.memory_space<semaphore_mem>>) src(%dma_wait3A_513 : memref<80x128xbf16, #tpu.memory_space<vmem>>) dst(%dma_wait3A_519 : memref<10240x128xbf16, #tpu.memory_space<vmem_shared>>)
      %add3A_520 = arith.constant 3 : i32
      %add3A_521 = arith.addi %add3A_508, %add3A_520 : i32
      %dma_start3A_522 = arith.constant 1 : i32
      %dma_start3A_523 = arith.constant 0 : i32
      %dma_start3A_524 = arith.constant 0 : i32
      %dma_start3A_525 = tpu.memref_slice %arg11[%dma_start3A_522, %dma_start3A_523, %dma_start3A_524] : memref<3x80x128xbf16, #tpu.memory_space<vmem>> -> memref<1x80x128xbf16, #tpu.memory_space<vmem>>
      %dma_start3A_526 = tpu.memref_squeeze %dma_start3A_525 : memref<1x80x128xbf16, #tpu.memory_space<vmem>> -> memref<80x128xbf16, #tpu.memory_space<vmem>>
      %dma_start3A_527 = arith.constant 0 : i32
      %dma_start3A_528 = tpu.memref_slice %arg9[%add3A_521, %dma_start3A_527] : memref<125x80xi32, #tpu.memory_space<vmem>> -> memref<1x80xi32, #tpu.memory_space<vmem>>
      %dma_start3A_529 = tpu.memref_squeeze %dma_start3A_528 : memref<1x80xi32, #tpu.memory_space<vmem>> -> memref<80xi32, #tpu.memory_space<vmem>>
      %dma_start3A_530 = arith.constant 0 : i32
      %dma_start3A_531 = arith.constant 0 : i32
      %dma_start3A_532 = tpu.memref_slice %arg2[%dma_start3A_530, %dma_start3A_531] : memref<10000x128xbf16, #tpu.memory_space<hbm>> -> memref<10000x128xbf16, #tpu.memory_space<hbm>>
      tpu.enqueue_indirect_dma source(%dma_start3A_532 : memref<10000x128xbf16, #tpu.memory_space<hbm>>) target(%dma_start3A_526 : memref<80x128xbf16, #tpu.memory_space<vmem>>) offsets(%dma_start3A_529 : memref<80xi32, #tpu.memory_space<vmem>>) semaphore(%arg14 : memref<!tpu.dma_semaphore, #tpu.memory_space<semaphore_mem>>)
      %add3A_533 = arith.constant 0 : i32
      %add3A_534 = arith.addi %mul3A_380, %add3A_533 : i32
      %add3A_535 = arith.constant 2 : i32
      %add3A_536 = arith.addi %add3A_534, %add3A_535 : i32
      %dma_wait3A_537 = arith.constant 2 : i32
      %dma_wait3A_538 = arith.constant 0 : i32
      %dma_wait3A_539 = arith.constant 0 : i32
      %dma_wait3A_540 = tpu.memref_slice %arg11[%dma_wait3A_537, %dma_wait3A_538, %dma_wait3A_539] : memref<3x80x128xbf16, #tpu.memory_space<vmem>> -> memref<1x80x128xbf16, #tpu.memory_space<vmem>>
      %dma_wait3A_541 = tpu.memref_squeeze %dma_wait3A_540 : memref<1x80x128xbf16, #tpu.memory_space<vmem>> -> memref<80x128xbf16, #tpu.memory_space<vmem>>
      %dma_wait3A_542 = arith.constant 0 : i32
      %dma_wait3A_543 = tpu.memref_slice %arg10[%add3A_536, %dma_wait3A_542] : memref<125x80xi32, #tpu.memory_space<vmem>> -> memref<1x80xi32, #tpu.memory_space<vmem>>
      %dma_wait3A_544 = tpu.memref_squeeze %dma_wait3A_543 : memref<1x80xi32, #tpu.memory_space<vmem>> -> memref<80xi32, #tpu.memory_space<vmem>>
      %dma_wait3A_545 = arith.constant 0 : i32
      %dma_wait3A_546 = arith.constant 0 : i32
      %dma_wait3A_547 = tpu.memref_slice %arg7[%dma_wait3A_545, %dma_wait3A_546] : memref<10240x128xbf16, #tpu.memory_space<vmem_shared>> -> memref<10240x128xbf16, #tpu.memory_space<vmem_shared>>
      tpu.wait_indirect_dma semaphore(%arg18 : memref<!tpu.dma_semaphore, #tpu.memory_space<semaphore_mem>>) src(%dma_wait3A_541 : memref<80x128xbf16, #tpu.memory_space<vmem>>) dst(%dma_wait3A_547 : memref<10240x128xbf16, #tpu.memory_space<vmem_shared>>)
      %add3A_548 = arith.constant 3 : i32
      %add3A_549 = arith.addi %add3A_536, %add3A_548 : i32
      %dma_start3A_550 = arith.constant 2 : i32
      %dma_start3A_551 = arith.constant 0 : i32
      %dma_start3A_552 = arith.constant 0 : i32
      %dma_start3A_553 = tpu.memref_slice %arg11[%dma_start3A_550, %dma_start3A_551, %dma_start3A_552] : memref<3x80x128xbf16, #tpu.memory_space<vmem>> -> memref<1x80x128xbf16, #tpu.memory_space<vmem>>
      %dma_start3A_554 = tpu.memref_squeeze %dma_start3A_553 : memref<1x80x128xbf16, #tpu.memory_space<vmem>> -> memref<80x128xbf16, #tpu.memory_space<vmem>>
      %dma_start3A_555 = arith.constant 0 : i32
      %dma_start3A_556 = tpu.memref_slice %arg9[%add3A_549, %dma_start3A_555] : memref<125x80xi32, #tpu.memory_space<vmem>> -> memref<1x80xi32, #tpu.memory_space<vmem>>
      %dma_start3A_557 = tpu.memref_squeeze %dma_start3A_556 : memref<1x80xi32, #tpu.memory_space<vmem>> -> memref<80xi32, #tpu.memory_space<vmem>>
      %dma_start3A_558 = arith.constant 0 : i32
      %dma_start3A_559 = arith.constant 0 : i32
      %dma_start3A_560 = tpu.memref_slice %arg2[%dma_start3A_558, %dma_start3A_559] : memref<10000x128xbf16, #tpu.memory_space<hbm>> -> memref<10000x128xbf16, #tpu.memory_space<hbm>>
      tpu.enqueue_indirect_dma source(%dma_start3A_560 : memref<10000x128xbf16, #tpu.memory_space<hbm>>) target(%dma_start3A_554 : memref<80x128xbf16, #tpu.memory_space<vmem>>) offsets(%dma_start3A_557 : memref<80xi32, #tpu.memory_space<vmem>>) semaphore(%arg15 : memref<!tpu.dma_semaphore, #tpu.memory_space<semaphore_mem>>)
      %add3A_561 = arith.constant 3 : i32
      %add3A_562 = arith.addi %mul3A_380, %add3A_561 : i32
      %add3A_563 = arith.constant 0 : i32
      %add3A_564 = arith.addi %add3A_562, %add3A_563 : i32
      %dma_wait3A_565 = arith.constant 0 : i32
      %dma_wait3A_566 = arith.constant 0 : i32
      %dma_wait3A_567 = arith.constant 0 : i32
      %dma_wait3A_568 = tpu.memref_slice %arg11[%dma_wait3A_565, %dma_wait3A_566, %dma_wait3A_567] : memref<3x80x128xbf16, #tpu.memory_space<vmem>> -> memref<1x80x128xbf16, #tpu.memory_space<vmem>>
      %dma_wait3A_569 = tpu.memref_squeeze %dma_wait3A_568 : memref<1x80x128xbf16, #tpu.memory_space<vmem>> -> memref<80x128xbf16, #tpu.memory_space<vmem>>
      %dma_wait3A_570 = arith.constant 0 : i32
      %dma_wait3A_571 = tpu.memref_slice %arg9[%add3A_564, %dma_wait3A_570] : memref<125x80xi32, #tpu.memory_space<vmem>> -> memref<1x80xi32, #tpu.memory_space<vmem>>
      %dma_wait3A_572 = tpu.memref_squeeze %dma_wait3A_571 : memref<1x80xi32, #tpu.memory_space<vmem>> -> memref<80xi32, #tpu.memory_space<vmem>>
      %dma_wait3A_573 = arith.constant 0 : i32
      %dma_wait3A_574 = arith.constant 0 : i32
      %dma_wait3A_575 = tpu.memref_slice %arg2[%dma_wait3A_573, %dma_wait3A_574] : memref<10000x128xbf16, #tpu.memory_space<hbm>> -> memref<10000x128xbf16, #tpu.memory_space<hbm>>
      tpu.wait_indirect_dma semaphore(%arg13 : memref<!tpu.dma_semaphore, #tpu.memory_space<semaphore_mem>>) src(%dma_wait3A_575 : memref<10000x128xbf16, #tpu.memory_space<hbm>>) dst(%dma_wait3A_569 : memref<80x128xbf16, #tpu.memory_space<vmem>>)
      %dma_start3A_576 = arith.constant 0 : i32
      %dma_start3A_577 = arith.constant 0 : i32
      %dma_start3A_578 = arith.constant 0 : i32
      %dma_start3A_579 = tpu.memref_slice %arg11[%dma_start3A_576, %dma_start3A_577, %dma_start3A_578] : memref<3x80x128xbf16, #tpu.memory_space<vmem>> -> memref<1x80x128xbf16, #tpu.memory_space<vmem>>
      %dma_start3A_580 = tpu.memref_squeeze %dma_start3A_579 : memref<1x80x128xbf16, #tpu.memory_space<vmem>> -> memref<80x128xbf16, #tpu.memory_space<vmem>>
      %dma_start3A_581 = arith.constant 0 : i32
      %dma_start3A_582 = tpu.memref_slice %arg10[%add3A_564, %dma_start3A_581] : memref<125x80xi32, #tpu.memory_space<vmem>> -> memref<1x80xi32, #tpu.memory_space<vmem>>
      %dma_start3A_583 = tpu.memref_squeeze %dma_start3A_582 : memref<1x80xi32, #tpu.memory_space<vmem>> -> memref<80xi32, #tpu.memory_space<vmem>>
      %dma_start3A_584 = arith.constant 0 : i32
      %dma_start3A_585 = arith.constant 0 : i32
      %dma_start3A_586 = tpu.memref_slice %arg8[%dma_start3A_584, %dma_start3A_585] : memref<10240x128xbf16, #tpu.memory_space<vmem_shared>> -> memref<10240x128xbf16, #tpu.memory_space<vmem_shared>>
      tpu.enqueue_indirect_dma source(%dma_start3A_580 : memref<80x128xbf16, #tpu.memory_space<vmem>>) target(%dma_start3A_586 : memref<10240x128xbf16, #tpu.memory_space<vmem_shared>>) offsets(%dma_start3A_583 : memref<80xi32, #tpu.memory_space<vmem>>) semaphore(%arg16 : memref<!tpu.dma_semaphore, #tpu.memory_space<semaphore_mem>>) {add = true}
      %scan3A_587 = arith.constant 0 : i32
      %scan3A_588 = arith.constant 0 : i32
      %scan3A_589 = arith.constant 5 : i32
      %scan3A_590 = arith.addi %scan3A_588, %scan3A_589 : i32
      %scan3A_591 = arith.constant 1 : i32
      scf.for %scan3A_741 = %scan3A_588 to %scan3A_590 step %scan3A_591  : i32 {
        %mul3A_742 = arith.constant 16 : i32
        %mul3A_743 = arith.muli %scan3A_741, %mul3A_742 : i32
        %get3A = arith.index_cast %add3A_564 : i32 to index
        %get3A_744 = arith.index_cast %mul3A_743 : i32 to index
        %get3A_745 = tpu.vector_load %arg10[%get3A, %get3A_744] {strides = array<i32>} : memref<125x80xi32, #tpu.memory_space<vmem>>, vector<16xi32>,
        tpu.vector_store_idx %arg12[%get3A_745], %broadcast_in_dim3A_58 {add = true} : memref<10240xf32, #tpu.memory_space<vmem>>[vector<16xi32>], vector<16xf32>,
      }
      %scan3A_592 = arith.constant 5 : i32
      %add3A_593 = arith.constant 3 : i32
      %add3A_594 = arith.addi %mul3A_380, %add3A_593 : i32
      %add3A_595 = arith.constant 1 : i32
      %add3A_596 = arith.addi %add3A_594, %add3A_595 : i32
      %dma_wait3A_597 = arith.constant 1 : i32
      %dma_wait3A_598 = arith.constant 0 : i32
      %dma_wait3A_599 = arith.constant 0 : i32
      %dma_wait3A_600 = tpu.memref_slice %arg11[%dma_wait3A_597, %dma_wait3A_598, %dma_wait3A_599] : memref<3x80x128xbf16, #tpu.memory_space<vmem>> -> memref<1x80x128xbf16, #tpu.memory_space<vmem>>
      %dma_wait3A_601 = tpu.memref_squeeze %dma_wait3A_600 : memref<1x80x128xbf16, #tpu.memory_space<vmem>> -> memref<80x128xbf16, #tpu.memory_space<vmem>>
      %dma_wait3A_602 = arith.constant 0 : i32
      %dma_wait3A_603 = tpu.memref_slice %arg9[%add3A_596, %dma_wait3A_602] : memref<125x80xi32, #tpu.memory_space<vmem>> -> memref<1x80xi32, #tpu.memory_space<vmem>>
      %dma_wait3A_604 = tpu.memref_squeeze %dma_wait3A_603 : memref<1x80xi32, #tpu.memory_space<vmem>> -> memref<80xi32, #tpu.memory_space<vmem>>
      %dma_wait3A_605 = arith.constant 0 : i32
      %dma_wait3A_606 = arith.constant 0 : i32
      %dma_wait3A_607 = tpu.memref_slice %arg2[%dma_wait3A_605, %dma_wait3A_606] : memref<10000x128xbf16, #tpu.memory_space<hbm>> -> memref<10000x128xbf16, #tpu.memory_space<hbm>>
      tpu.wait_indirect_dma semaphore(%arg14 : memref<!tpu.dma_semaphore, #tpu.memory_space<semaphore_mem>>) src(%dma_wait3A_607 : memref<10000x128xbf16, #tpu.memory_space<hbm>>) dst(%dma_wait3A_601 : memref<80x128xbf16, #tpu.memory_space<vmem>>)
      %dma_start3A_608 = arith.constant 1 : i32
      %dma_start3A_609 = arith.constant 0 : i32
      %dma_start3A_610 = arith.constant 0 : i32
      %dma_start3A_611 = tpu.memref_slice %arg11[%dma_start3A_608, %dma_start3A_609, %dma_start3A_610] : memref<3x80x128xbf16, #tpu.memory_space<vmem>> -> memref<1x80x128xbf16, #tpu.memory_space<vmem>>
      %dma_start3A_612 = tpu.memref_squeeze %dma_start3A_611 : memref<1x80x128xbf16, #tpu.memory_space<vmem>> -> memref<80x128xbf16, #tpu.memory_space<vmem>>
      %dma_start3A_613 = arith.constant 0 : i32
      %dma_start3A_614 = tpu.memref_slice %arg10[%add3A_596, %dma_start3A_613] : memref<125x80xi32, #tpu.memory_space<vmem>> -> memref<1x80xi32, #tpu.memory_space<vmem>>
      %dma_start3A_615 = tpu.memref_squeeze %dma_start3A_614 : memref<1x80xi32, #tpu.memory_space<vmem>> -> memref<80xi32, #tpu.memory_space<vmem>>
      %dma_start3A_616 = arith.constant 0 : i32
      %dma_start3A_617 = arith.constant 0 : i32
      %dma_start3A_618 = tpu.memref_slice %arg7[%dma_start3A_616, %dma_start3A_617] : memref<10240x128xbf16, #tpu.memory_space<vmem_shared>> -> memref<10240x128xbf16, #tpu.memory_space<vmem_shared>>
      tpu.enqueue_indirect_dma source(%dma_start3A_612 : memref<80x128xbf16, #tpu.memory_space<vmem>>) target(%dma_start3A_618 : memref<10240x128xbf16, #tpu.memory_space<vmem_shared>>) offsets(%dma_start3A_615 : memref<80xi32, #tpu.memory_space<vmem>>) semaphore(%arg17 : memref<!tpu.dma_semaphore, #tpu.memory_space<semaphore_mem>>) {add = true}
      %scan3A_619 = arith.constant 0 : i32
      %scan3A_620 = arith.constant 0 : i32
      %scan3A_621 = arith.constant 5 : i32
      %scan3A_622 = arith.addi %scan3A_620, %scan3A_621 : i32
      %scan3A_623 = arith.constant 1 : i32
      scf.for %scan3A_741 = %scan3A_620 to %scan3A_622 step %scan3A_623  : i32 {
        %mul3A_742 = arith.constant 16 : i32
        %mul3A_743 = arith.muli %scan3A_741, %mul3A_742 : i32
        %get3A = arith.index_cast %add3A_596 : i32 to index
        %get3A_744 = arith.index_cast %mul3A_743 : i32 to index
        %get3A_745 = tpu.vector_load %arg10[%get3A, %get3A_744] {strides = array<i32>} : memref<125x80xi32, #tpu.memory_space<vmem>>, vector<16xi32>,
        tpu.vector_store_idx %arg12[%get3A_745], %broadcast_in_dim3A_58 {add = true} : memref<10240xf32, #tpu.memory_space<vmem>>[vector<16xi32>], vector<16xf32>,
      }
      %scan3A_624 = arith.constant 5 : i32
      %add3A_625 = arith.constant 3 : i32
      %add3A_626 = arith.addi %mul3A_380, %add3A_625 : i32
      %add3A_627 = arith.constant 2 : i32
      %add3A_628 = arith.addi %add3A_626, %add3A_627 : i32
      %dma_wait3A_629 = arith.constant 2 : i32
      %dma_wait3A_630 = arith.constant 0 : i32
      %dma_wait3A_631 = arith.constant 0 : i32
      %dma_wait3A_632 = tpu.memref_slice %arg11[%dma_wait3A_629, %dma_wait3A_630, %dma_wait3A_631] : memref<3x80x128xbf16, #tpu.memory_space<vmem>> -> memref<1x80x128xbf16, #tpu.memory_space<vmem>>
      %dma_wait3A_633 = tpu.memref_squeeze %dma_wait3A_632 : memref<1x80x128xbf16, #tpu.memory_space<vmem>> -> memref<80x128xbf16, #tpu.memory_space<vmem>>
      %dma_wait3A_634 = arith.constant 0 : i32
      %dma_wait3A_635 = tpu.memref_slice %arg9[%add3A_628, %dma_wait3A_634] : memref<125x80xi32, #tpu.memory_space<vmem>> -> memref<1x80xi32, #tpu.memory_space<vmem>>
      %dma_wait3A_636 = tpu.memref_squeeze %dma_wait3A_635 : memref<1x80xi32, #tpu.memory_space<vmem>> -> memref<80xi32, #tpu.memory_space<vmem>>
      %dma_wait3A_637 = arith.constant 0 : i32
      %dma_wait3A_638 = arith.constant 0 : i32
      %dma_wait3A_639 = tpu.memref_slice %arg2[%dma_wait3A_637, %dma_wait3A_638] : memref<10000x128xbf16, #tpu.memory_space<hbm>> -> memref<10000x128xbf16, #tpu.memory_space<hbm>>
      tpu.wait_indirect_dma semaphore(%arg15 : memref<!tpu.dma_semaphore, #tpu.memory_space<semaphore_mem>>) src(%dma_wait3A_639 : memref<10000x128xbf16, #tpu.memory_space<hbm>>) dst(%dma_wait3A_633 : memref<80x128xbf16, #tpu.memory_space<vmem>>)
      %dma_start3A_640 = arith.constant 2 : i32
      %dma_start3A_641 = arith.constant 0 : i32
      %dma_start3A_642 = arith.constant 0 : i32
      %dma_start3A_643 = tpu.memref_slice %arg11[%dma_start3A_640, %dma_start3A_641, %dma_start3A_642] : memref<3x80x128xbf16, #tpu.memory_space<vmem>> -> memref<1x80x128xbf16, #tpu.memory_space<vmem>>
      %dma_start3A_644 = tpu.memref_squeeze %dma_start3A_643 : memref<1x80x128xbf16, #tpu.memory_space<vmem>> -> memref<80x128xbf16, #tpu.memory_space<vmem>>
      %dma_start3A_645 = arith.constant 0 : i32
      %dma_start3A_646 = tpu.memref_slice %arg10[%add3A_628, %dma_start3A_645] : memref<125x80xi32, #tpu.memory_space<vmem>> -> memref<1x80xi32, #tpu.memory_space<vmem>>
      %dma_start3A_647 = tpu.memref_squeeze %dma_start3A_646 : memref<1x80xi32, #tpu.memory_space<vmem>> -> memref<80xi32, #tpu.memory_space<vmem>>
      %dma_start3A_648 = arith.constant 0 : i32
      %dma_start3A_649 = arith.constant 0 : i32
      %dma_start3A_650 = tpu.memref_slice %arg8[%dma_start3A_648, %dma_start3A_649] : memref<10240x128xbf16, #tpu.memory_space<vmem_shared>> -> memref<10240x128xbf16, #tpu.memory_space<vmem_shared>>
      tpu.enqueue_indirect_dma source(%dma_start3A_644 : memref<80x128xbf16, #tpu.memory_space<vmem>>) target(%dma_start3A_650 : memref<10240x128xbf16, #tpu.memory_space<vmem_shared>>) offsets(%dma_start3A_647 : memref<80xi32, #tpu.memory_space<vmem>>) semaphore(%arg18 : memref<!tpu.dma_semaphore, #tpu.memory_space<semaphore_mem>>) {add = true}
      %scan3A_651 = arith.constant 0 : i32
      %scan3A_652 = arith.constant 0 : i32
      %scan3A_653 = arith.constant 5 : i32
      %scan3A_654 = arith.addi %scan3A_652, %scan3A_653 : i32
      %scan3A_655 = arith.constant 1 : i32
      scf.for %scan3A_741 = %scan3A_652 to %scan3A_654 step %scan3A_655  : i32 {
        %mul3A_742 = arith.constant 16 : i32
        %mul3A_743 = arith.muli %scan3A_741, %mul3A_742 : i32
        %get3A = arith.index_cast %add3A_628 : i32 to index
        %get3A_744 = arith.index_cast %mul3A_743 : i32 to index
        %get3A_745 = tpu.vector_load %arg10[%get3A, %get3A_744] {strides = array<i32>} : memref<125x80xi32, #tpu.memory_space<vmem>>, vector<16xi32>,
        tpu.vector_store_idx %arg12[%get3A_745], %broadcast_in_dim3A_58 {add = true} : memref<10240xf32, #tpu.memory_space<vmem>>[vector<16xi32>], vector<16xf32>,
      }
      %scan3A_656 = arith.constant 5 : i32
      %add3A_657 = arith.constant 3 : i32
      %add3A_658 = arith.addi %mul3A_380, %add3A_657 : i32
      %add3A_659 = arith.constant 0 : i32
      %add3A_660 = arith.addi %add3A_658, %add3A_659 : i32
      %dma_wait3A_661 = arith.constant 0 : i32
      %dma_wait3A_662 = arith.constant 0 : i32
      %dma_wait3A_663 = arith.constant 0 : i32
      %dma_wait3A_664 = tpu.memref_slice %arg11[%dma_wait3A_661, %dma_wait3A_662, %dma_wait3A_663] : memref<3x80x128xbf16, #tpu.memory_space<vmem>> -> memref<1x80x128xbf16, #tpu.memory_space<vmem>>
      %dma_wait3A_665 = tpu.memref_squeeze %dma_wait3A_664 : memref<1x80x128xbf16, #tpu.memory_space<vmem>> -> memref<80x128xbf16, #tpu.memory_space<vmem>>
      %dma_wait3A_666 = arith.constant 0 : i32
      %dma_wait3A_667 = tpu.memref_slice %arg10[%add3A_660, %dma_wait3A_666] : memref<125x80xi32, #tpu.memory_space<vmem>> -> memref<1x80xi32, #tpu.memory_space<vmem>>
      %dma_wait3A_668 = tpu.memref_squeeze %dma_wait3A_667 : memref<1x80xi32, #tpu.memory_space<vmem>> -> memref<80xi32, #tpu.memory_space<vmem>>
      %dma_wait3A_669 = arith.constant 0 : i32
      %dma_wait3A_670 = arith.constant 0 : i32
      %dma_wait3A_671 = tpu.memref_slice %arg8[%dma_wait3A_669, %dma_wait3A_670] : memref<10240x128xbf16, #tpu.memory_space<vmem_shared>> -> memref<10240x128xbf16, #tpu.memory_space<vmem_shared>>
      tpu.wait_indirect_dma semaphore(%arg16 : memref<!tpu.dma_semaphore, #tpu.memory_space<semaphore_mem>>) src(%dma_wait3A_665 : memref<80x128xbf16, #tpu.memory_space<vmem>>) dst(%dma_wait3A_671 : memref<10240x128xbf16, #tpu.memory_space<vmem_shared>>)
      %add3A_672 = arith.constant 3 : i32
      %add3A_673 = arith.addi %add3A_660, %add3A_672 : i32
      %dma_start3A_674 = arith.constant 0 : i32
      %dma_start3A_675 = arith.constant 0 : i32
      %dma_start3A_676 = arith.constant 0 : i32
      %dma_start3A_677 = tpu.memref_slice %arg11[%dma_start3A_674, %dma_start3A_675, %dma_start3A_676] : memref<3x80x128xbf16, #tpu.memory_space<vmem>> -> memref<1x80x128xbf16, #tpu.memory_space<vmem>>
      %dma_start3A_678 = tpu.memref_squeeze %dma_start3A_677 : memref<1x80x128xbf16, #tpu.memory_space<vmem>> -> memref<80x128xbf16, #tpu.memory_space<vmem>>
      %dma_start3A_679 = arith.constant 0 : i32
      %dma_start3A_680 = tpu.memref_slice %arg9[%add3A_673, %dma_start3A_679] : memref<125x80xi32, #tpu.memory_space<vmem>> -> memref<1x80xi32, #tpu.memory_space<vmem>>
      %dma_start3A_681 = tpu.memref_squeeze %dma_start3A_680 : memref<1x80xi32, #tpu.memory_space<vmem>> -> memref<80xi32, #tpu.memory_space<vmem>>
      %dma_start3A_682 = arith.constant 0 : i32
      %dma_start3A_683 = arith.constant 0 : i32
      %dma_start3A_684 = tpu.memref_slice %arg2[%dma_start3A_682, %dma_start3A_683] : memref<10000x128xbf16, #tpu.memory_space<hbm>> -> memref<10000x128xbf16, #tpu.memory_space<hbm>>
      tpu.enqueue_indirect_dma source(%dma_start3A_684 : memref<10000x128xbf16, #tpu.memory_space<hbm>>) target(%dma_start3A_678 : memref<80x128xbf16, #tpu.memory_space<vmem>>) offsets(%dma_start3A_681 : memref<80xi32, #tpu.memory_space<vmem>>) semaphore(%arg13 : memref<!tpu.dma_semaphore, #tpu.memory_space<semaphore_mem>>)
      %add3A_685 = arith.constant 3 : i32
      %add3A_686 = arith.addi %mul3A_380, %add3A_685 : i32
      %add3A_687 = arith.constant 1 : i32
      %add3A_688 = arith.addi %add3A_686, %add3A_687 : i32
      %dma_wait3A_689 = arith.constant 1 : i32
      %dma_wait3A_690 = arith.constant 0 : i32
      %dma_wait3A_691 = arith.constant 0 : i32
      %dma_wait3A_692 = tpu.memref_slice %arg11[%dma_wait3A_689, %dma_wait3A_690, %dma_wait3A_691] : memref<3x80x128xbf16, #tpu.memory_space<vmem>> -> memref<1x80x128xbf16, #tpu.memory_space<vmem>>
      %dma_wait3A_693 = tpu.memref_squeeze %dma_wait3A_692 : memref<1x80x128xbf16, #tpu.memory_space<vmem>> -> memref<80x128xbf16, #tpu.memory_space<vmem>>
      %dma_wait3A_694 = arith.constant 0 : i32
      %dma_wait3A_695 = tpu.memref_slice %arg10[%add3A_688, %dma_wait3A_694] : memref<125x80xi32, #tpu.memory_space<vmem>> -> memref<1x80xi32, #tpu.memory_space<vmem>>
      %dma_wait3A_696 = tpu.memref_squeeze %dma_wait3A_695 : memref<1x80xi32, #tpu.memory_space<vmem>> -> memref<80xi32, #tpu.memory_space<vmem>>
      %dma_wait3A_697 = arith.constant 0 : i32
      %dma_wait3A_698 = arith.constant 0 : i32
      %dma_wait3A_699 = tpu.memref_slice %arg7[%dma_wait3A_697, %dma_wait3A_698] : memref<10240x128xbf16, #tpu.memory_space<vmem_shared>> -> memref<10240x128xbf16, #tpu.memory_space<vmem_shared>>
      tpu.wait_indirect_dma semaphore(%arg17 : memref<!tpu.dma_semaphore, #tpu.memory_space<semaphore_mem>>) src(%dma_wait3A_693 : memref<80x128xbf16, #tpu.memory_space<vmem>>) dst(%dma_wait3A_699 : memref<10240x128xbf16, #tpu.memory_space<vmem_shared>>)
      %add3A_700 = arith.constant 3 : i32
      %add3A_701 = arith.addi %add3A_688, %add3A_700 : i32
      %dma_start3A_702 = arith.constant 1 : i32
      %dma_start3A_703 = arith.constant 0 : i32
      %dma_start3A_704 = arith.constant 0 : i32
      %dma_start3A_705 = tpu.memref_slice %arg11[%dma_start3A_702, %dma_start3A_703, %dma_start3A_704] : memref<3x80x128xbf16, #tpu.memory_space<vmem>> -> memref<1x80x128xbf16, #tpu.memory_space<vmem>>
      %dma_start3A_706 = tpu.memref_squeeze %dma_start3A_705 : memref<1x80x128xbf16, #tpu.memory_space<vmem>> -> memref<80x128xbf16, #tpu.memory_space<vmem>>
      %dma_start3A_707 = arith.constant 0 : i32
      %dma_start3A_708 = tpu.memref_slice %arg9[%add3A_701, %dma_start3A_707] : memref<125x80xi32, #tpu.memory_space<vmem>> -> memref<1x80xi32, #tpu.memory_space<vmem>>
      %dma_start3A_709 = tpu.memref_squeeze %dma_start3A_708 : memref<1x80xi32, #tpu.memory_space<vmem>> -> memref<80xi32, #tpu.memory_space<vmem>>
      %dma_start3A_710 = arith.constant 0 : i32
      %dma_start3A_711 = arith.constant 0 : i32
      %dma_start3A_712 = tpu.memref_slice %arg2[%dma_start3A_710, %dma_start3A_711] : memref<10000x128xbf16, #tpu.memory_space<hbm>> -> memref<10000x128xbf16, #tpu.memory_space<hbm>>
      tpu.enqueue_indirect_dma source(%dma_start3A_712 : memref<10000x128xbf16, #tpu.memory_space<hbm>>) target(%dma_start3A_706 : memref<80x128xbf16, #tpu.memory_space<vmem>>) offsets(%dma_start3A_709 : memref<80xi32, #tpu.memory_space<vmem>>) semaphore(%arg14 : memref<!tpu.dma_semaphore, #tpu.memory_space<semaphore_mem>>)
      %add3A_713 = arith.constant 3 : i32
      %add3A_714 = arith.addi %mul3A_380, %add3A_713 : i32
      %add3A_715 = arith.constant 2 : i32
      %add3A_716 = arith.addi %add3A_714, %add3A_715 : i32
      %dma_wait3A_717 = arith.constant 2 : i32
      %dma_wait3A_718 = arith.constant 0 : i32
      %dma_wait3A_719 = arith.constant 0 : i32
      %dma_wait3A_720 = tpu.memref_slice %arg11[%dma_wait3A_717, %dma_wait3A_718, %dma_wait3A_719] : memref<3x80x128xbf16, #tpu.memory_space<vmem>> -> memref<1x80x128xbf16, #tpu.memory_space<vmem>>
      %dma_wait3A_721 = tpu.memref_squeeze %dma_wait3A_720 : memref<1x80x128xbf16, #tpu.memory_space<vmem>> -> memref<80x128xbf16, #tpu.memory_space<vmem>>
      %dma_wait3A_722 = arith.constant 0 : i32
      %dma_wait3A_723 = tpu.memref_slice %arg10[%add3A_716, %dma_wait3A_722] : memref<125x80xi32, #tpu.memory_space<vmem>> -> memref<1x80xi32, #tpu.memory_space<vmem>>
      %dma_wait3A_724 = tpu.memref_squeeze %dma_wait3A_723 : memref<1x80xi32, #tpu.memory_space<vmem>> -> memref<80xi32, #tpu.memory_space<vmem>>
      %dma_wait3A_725 = arith.constant 0 : i32
      %dma_wait3A_726 = arith.constant 0 : i32
      %dma_wait3A_727 = tpu.memref_slice %arg8[%dma_wait3A_725, %dma_wait3A_726] : memref<10240x128xbf16, #tpu.memory_space<vmem_shared>> -> memref<10240x128xbf16, #tpu.memory_space<vmem_shared>>
      tpu.wait_indirect_dma semaphore(%arg18 : memref<!tpu.dma_semaphore, #tpu.memory_space<semaphore_mem>>) src(%dma_wait3A_721 : memref<80x128xbf16, #tpu.memory_space<vmem>>) dst(%dma_wait3A_727 : memref<10240x128xbf16, #tpu.memory_space<vmem_shared>>)
      %add3A_728 = arith.constant 3 : i32
      %add3A_729 = arith.addi %add3A_716, %add3A_728 : i32
      %dma_start3A_730 = arith.constant 2 : i32
      %dma_start3A_731 = arith.constant 0 : i32
      %dma_start3A_732 = arith.constant 0 : i32
      %dma_start3A_733 = tpu.memref_slice %arg11[%dma_start3A_730, %dma_start3A_731, %dma_start3A_732] : memref<3x80x128xbf16, #tpu.memory_space<vmem>> -> memref<1x80x128xbf16, #tpu.memory_space<vmem>>
      %dma_start3A_734 = tpu.memref_squeeze %dma_start3A_733 : memref<1x80x128xbf16, #tpu.memory_space<vmem>> -> memref<80x128xbf16, #tpu.memory_space<vmem>>
      %dma_start3A_735 = arith.constant 0 : i32
      %dma_start3A_736 = tpu.memref_slice %arg9[%add3A_729, %dma_start3A_735] : memref<125x80xi32, #tpu.memory_space<vmem>> -> memref<1x80xi32, #tpu.memory_space<vmem>>
      %dma_start3A_737 = tpu.memref_squeeze %dma_start3A_736 : memref<1x80xi32, #tpu.memory_space<vmem>> -> memref<80xi32, #tpu.memory_space<vmem>>
      %dma_start3A_738 = arith.constant 0 : i32
      %dma_start3A_739 = arith.constant 0 : i32
      %dma_start3A_740 = tpu.memref_slice %arg2[%dma_start3A_738, %dma_start3A_739] : memref<10000x128xbf16, #tpu.memory_space<hbm>> -> memref<10000x128xbf16, #tpu.memory_space<hbm>>
      tpu.enqueue_indirect_dma source(%dma_start3A_740 : memref<10000x128xbf16, #tpu.memory_space<hbm>>) target(%dma_start3A_734 : memref<80x128xbf16, #tpu.memory_space<vmem>>) offsets(%dma_start3A_737 : memref<80xi32, #tpu.memory_space<vmem>>) semaphore(%arg15 : memref<!tpu.dma_semaphore, #tpu.memory_space<semaphore_mem>>)
    }
    %scan3A_134 = arith.constant 20 : i32
    %dma_wait3A_135 = arith.constant 120 : i32
    %dma_wait3A_136 = arith.constant 0 : i32
    %dma_wait3A_137 = arith.constant 0 : i32
    %dma_wait3A_138 = arith.constant 0 : i32
    %dma_wait3A_139 = tpu.memref_slice %arg11[%dma_wait3A_136, %dma_wait3A_137, %dma_wait3A_138] : memref<3x80x128xbf16, #tpu.memory_space<vmem>> -> memref<1x80x128xbf16, #tpu.memory_space<vmem>>
    %dma_wait3A_140 = tpu.memref_squeeze %dma_wait3A_139 : memref<1x80x128xbf16, #tpu.memory_space<vmem>> -> memref<80x128xbf16, #tpu.memory_space<vmem>>
    %dma_wait3A_141 = arith.constant 0 : i32
    %dma_wait3A_142 = tpu.memref_slice %arg9[%dma_wait3A_135, %dma_wait3A_141] : memref<125x80xi32, #tpu.memory_space<vmem>> -> memref<1x80xi32, #tpu.memory_space<vmem>>
    %dma_wait3A_143 = tpu.memref_squeeze %dma_wait3A_142 : memref<1x80xi32, #tpu.memory_space<vmem>> -> memref<80xi32, #tpu.memory_space<vmem>>
    %dma_wait3A_144 = arith.constant 0 : i32
    %dma_wait3A_145 = arith.constant 0 : i32
    %dma_wait3A_146 = tpu.memref_slice %arg2[%dma_wait3A_144, %dma_wait3A_145] : memref<10000x128xbf16, #tpu.memory_space<hbm>> -> memref<10000x128xbf16, #tpu.memory_space<hbm>>
    tpu.wait_indirect_dma semaphore(%arg13 : memref<!tpu.dma_semaphore, #tpu.memory_space<semaphore_mem>>) src(%dma_wait3A_146 : memref<10000x128xbf16, #tpu.memory_space<hbm>>) dst(%dma_wait3A_140 : memref<80x128xbf16, #tpu.memory_space<vmem>>)
    %dma_start3A_147 = arith.constant 0 : i32
    %dma_start3A_148 = arith.constant 120 : i32
    %dma_start3A_149 = arith.constant 0 : i32
    %dma_start3A_150 = arith.constant 0 : i32
    %dma_start3A_151 = tpu.memref_slice %arg11[%dma_start3A_147, %dma_start3A_149, %dma_start3A_150] : memref<3x80x128xbf16, #tpu.memory_space<vmem>> -> memref<1x80x128xbf16, #tpu.memory_space<vmem>>
    %dma_start3A_152 = tpu.memref_squeeze %dma_start3A_151 : memref<1x80x128xbf16, #tpu.memory_space<vmem>> -> memref<80x128xbf16, #tpu.memory_space<vmem>>
    %dma_start3A_153 = arith.constant 0 : i32
    %dma_start3A_154 = tpu.memref_slice %arg10[%dma_start3A_148, %dma_start3A_153] : memref<125x80xi32, #tpu.memory_space<vmem>> -> memref<1x80xi32, #tpu.memory_space<vmem>>
    %dma_start3A_155 = tpu.memref_squeeze %dma_start3A_154 : memref<1x80xi32, #tpu.memory_space<vmem>> -> memref<80xi32, #tpu.memory_space<vmem>>
    %dma_start3A_156 = arith.constant 0 : i32
    %dma_start3A_157 = arith.constant 0 : i32
    %dma_start3A_158 = tpu.memref_slice %arg7[%dma_start3A_156, %dma_start3A_157] : memref<10240x128xbf16, #tpu.memory_space<vmem_shared>> -> memref<10240x128xbf16, #tpu.memory_space<vmem_shared>>
    tpu.enqueue_indirect_dma source(%dma_start3A_152 : memref<80x128xbf16, #tpu.memory_space<vmem>>) target(%dma_start3A_158 : memref<10240x128xbf16, #tpu.memory_space<vmem_shared>>) offsets(%dma_start3A_155 : memref<80xi32, #tpu.memory_space<vmem>>) semaphore(%arg16 : memref<!tpu.dma_semaphore, #tpu.memory_space<semaphore_mem>>) {add = true}
    %scan3A_159 = arith.constant 0 : i32
    %scan3A_160 = arith.constant 0 : i32
    %scan3A_161 = arith.constant 5 : i32
    %scan3A_162 = arith.addi %scan3A_160, %scan3A_161 : i32
    %scan3A_163 = arith.constant 1 : i32
    scf.for %scan3A_378 = %scan3A_160 to %scan3A_162 step %scan3A_163  : i32 {
      %mul3A_379 = arith.constant 16 : i32
      %mul3A_380 = arith.muli %scan3A_378, %mul3A_379 : i32
      %get3A = arith.constant 120 : i32
      %get3A_381 = arith.index_cast %get3A : i32 to index
      %get3A_382 = arith.index_cast %mul3A_380 : i32 to index
      %get3A_383 = tpu.vector_load %arg10[%get3A_381, %get3A_382] {strides = array<i32>} : memref<125x80xi32, #tpu.memory_space<vmem>>, vector<16xi32>,
      tpu.vector_store_idx %arg12[%get3A_383], %broadcast_in_dim3A_58 {add = true} : memref<10240xf32, #tpu.memory_space<vmem>>[vector<16xi32>], vector<16xf32>,
    }
    %scan3A_164 = arith.constant 5 : i32
    %dma_wait3A_165 = arith.constant 121 : i32
    %dma_wait3A_166 = arith.constant 1 : i32
    %dma_wait3A_167 = arith.constant 0 : i32
    %dma_wait3A_168 = arith.constant 0 : i32
    %dma_wait3A_169 = tpu.memref_slice %arg11[%dma_wait3A_166, %dma_wait3A_167, %dma_wait3A_168] : memref<3x80x128xbf16, #tpu.memory_space<vmem>> -> memref<1x80x128xbf16, #tpu.memory_space<vmem>>
    %dma_wait3A_170 = tpu.memref_squeeze %dma_wait3A_169 : memref<1x80x128xbf16, #tpu.memory_space<vmem>> -> memref<80x128xbf16, #tpu.memory_space<vmem>>
    %dma_wait3A_171 = arith.constant 0 : i32
    %dma_wait3A_172 = tpu.memref_slice %arg9[%dma_wait3A_165, %dma_wait3A_171] : memref<125x80xi32, #tpu.memory_space<vmem>> -> memref<1x80xi32, #tpu.memory_space<vmem>>
    %dma_wait3A_173 = tpu.memref_squeeze %dma_wait3A_172 : memref<1x80xi32, #tpu.memory_space<vmem>> -> memref<80xi32, #tpu.memory_space<vmem>>
    %dma_wait3A_174 = arith.constant 0 : i32
    %dma_wait3A_175 = arith.constant 0 : i32
    %dma_wait3A_176 = tpu.memref_slice %arg2[%dma_wait3A_174, %dma_wait3A_175] : memref<10000x128xbf16, #tpu.memory_space<hbm>> -> memref<10000x128xbf16, #tpu.memory_space<hbm>>
    tpu.wait_indirect_dma semaphore(%arg14 : memref<!tpu.dma_semaphore, #tpu.memory_space<semaphore_mem>>) src(%dma_wait3A_176 : memref<10000x128xbf16, #tpu.memory_space<hbm>>) dst(%dma_wait3A_170 : memref<80x128xbf16, #tpu.memory_space<vmem>>)
    %dma_start3A_177 = arith.constant 1 : i32
    %dma_start3A_178 = arith.constant 121 : i32
    %dma_start3A_179 = arith.constant 0 : i32
    %dma_start3A_180 = arith.constant 0 : i32
    %dma_start3A_181 = tpu.memref_slice %arg11[%dma_start3A_177, %dma_start3A_179, %dma_start3A_180] : memref<3x80x128xbf16, #tpu.memory_space<vmem>> -> memref<1x80x128xbf16, #tpu.memory_space<vmem>>
    %dma_start3A_182 = tpu.memref_squeeze %dma_start3A_181 : memref<1x80x128xbf16, #tpu.memory_space<vmem>> -> memref<80x128xbf16, #tpu.memory_space<vmem>>
    %dma_start3A_183 = arith.constant 0 : i32
    %dma_start3A_184 = tpu.memref_slice %arg10[%dma_start3A_178, %dma_start3A_183] : memref<125x80xi32, #tpu.memory_space<vmem>> -> memref<1x80xi32, #tpu.memory_space<vmem>>
    %dma_start3A_185 = tpu.memref_squeeze %dma_start3A_184 : memref<1x80xi32, #tpu.memory_space<vmem>> -> memref<80xi32, #tpu.memory_space<vmem>>
    %dma_start3A_186 = arith.constant 0 : i32
    %dma_start3A_187 = arith.constant 0 : i32
    %dma_start3A_188 = tpu.memref_slice %arg8[%dma_start3A_186, %dma_start3A_187] : memref<10240x128xbf16, #tpu.memory_space<vmem_shared>> -> memref<10240x128xbf16, #tpu.memory_space<vmem_shared>>
    tpu.enqueue_indirect_dma source(%dma_start3A_182 : memref<80x128xbf16, #tpu.memory_space<vmem>>) target(%dma_start3A_188 : memref<10240x128xbf16, #tpu.memory_space<vmem_shared>>) offsets(%dma_start3A_185 : memref<80xi32, #tpu.memory_space<vmem>>) semaphore(%arg17 : memref<!tpu.dma_semaphore, #tpu.memory_space<semaphore_mem>>) {add = true}
    %scan3A_189 = arith.constant 0 : i32
    %scan3A_190 = arith.constant 0 : i32
    %scan3A_191 = arith.constant 5 : i32
    %scan3A_192 = arith.addi %scan3A_190, %scan3A_191 : i32
    %scan3A_193 = arith.constant 1 : i32
    scf.for %scan3A_378 = %scan3A_190 to %scan3A_192 step %scan3A_193  : i32 {
      %mul3A_379 = arith.constant 16 : i32
      %mul3A_380 = arith.muli %scan3A_378, %mul3A_379 : i32
      %get3A = arith.constant 121 : i32
      %get3A_381 = arith.index_cast %get3A : i32 to index
      %get3A_382 = arith.index_cast %mul3A_380 : i32 to index
      %get3A_383 = tpu.vector_load %arg10[%get3A_381, %get3A_382] {strides = array<i32>} : memref<125x80xi32, #tpu.memory_space<vmem>>, vector<16xi32>,
      tpu.vector_store_idx %arg12[%get3A_383], %broadcast_in_dim3A_58 {add = true} : memref<10240xf32, #tpu.memory_space<vmem>>[vector<16xi32>], vector<16xf32>,
    }
    %scan3A_194 = arith.constant 5 : i32
    %dma_wait3A_195 = arith.constant 122 : i32
    %dma_wait3A_196 = arith.constant 2 : i32
    %dma_wait3A_197 = arith.constant 0 : i32
    %dma_wait3A_198 = arith.constant 0 : i32
    %dma_wait3A_199 = tpu.memref_slice %arg11[%dma_wait3A_196, %dma_wait3A_197, %dma_wait3A_198] : memref<3x80x128xbf16, #tpu.memory_space<vmem>> -> memref<1x80x128xbf16, #tpu.memory_space<vmem>>
    %dma_wait3A_200 = tpu.memref_squeeze %dma_wait3A_199 : memref<1x80x128xbf16, #tpu.memory_space<vmem>> -> memref<80x128xbf16, #tpu.memory_space<vmem>>
    %dma_wait3A_201 = arith.constant 0 : i32
    %dma_wait3A_202 = tpu.memref_slice %arg9[%dma_wait3A_195, %dma_wait3A_201] : memref<125x80xi32, #tpu.memory_space<vmem>> -> memref<1x80xi32, #tpu.memory_space<vmem>>
    %dma_wait3A_203 = tpu.memref_squeeze %dma_wait3A_202 : memref<1x80xi32, #tpu.memory_space<vmem>> -> memref<80xi32, #tpu.memory_space<vmem>>
    %dma_wait3A_204 = arith.constant 0 : i32
    %dma_wait3A_205 = arith.constant 0 : i32
    %dma_wait3A_206 = tpu.memref_slice %arg2[%dma_wait3A_204, %dma_wait3A_205] : memref<10000x128xbf16, #tpu.memory_space<hbm>> -> memref<10000x128xbf16, #tpu.memory_space<hbm>>
    tpu.wait_indirect_dma semaphore(%arg15 : memref<!tpu.dma_semaphore, #tpu.memory_space<semaphore_mem>>) src(%dma_wait3A_206 : memref<10000x128xbf16, #tpu.memory_space<hbm>>) dst(%dma_wait3A_200 : memref<80x128xbf16, #tpu.memory_space<vmem>>)
    %dma_start3A_207 = arith.constant 2 : i32
    %dma_start3A_208 = arith.constant 122 : i32
    %dma_start3A_209 = arith.constant 0 : i32
    %dma_start3A_210 = arith.constant 0 : i32
    %dma_start3A_211 = tpu.memref_slice %arg11[%dma_start3A_207, %dma_start3A_209, %dma_start3A_210] : memref<3x80x128xbf16, #tpu.memory_space<vmem>> -> memref<1x80x128xbf16, #tpu.memory_space<vmem>>
    %dma_start3A_212 = tpu.memref_squeeze %dma_start3A_211 : memref<1x80x128xbf16, #tpu.memory_space<vmem>> -> memref<80x128xbf16, #tpu.memory_space<vmem>>
    %dma_start3A_213 = arith.constant 0 : i32
    %dma_start3A_214 = tpu.memref_slice %arg10[%dma_start3A_208, %dma_start3A_213] : memref<125x80xi32, #tpu.memory_space<vmem>> -> memref<1x80xi32, #tpu.memory_space<vmem>>
    %dma_start3A_215 = tpu.memref_squeeze %dma_start3A_214 : memref<1x80xi32, #tpu.memory_space<vmem>> -> memref<80xi32, #tpu.memory_space<vmem>>
    %dma_start3A_216 = arith.constant 0 : i32
    %dma_start3A_217 = arith.constant 0 : i32
    %dma_start3A_218 = tpu.memref_slice %arg7[%dma_start3A_216, %dma_start3A_217] : memref<10240x128xbf16, #tpu.memory_space<vmem_shared>> -> memref<10240x128xbf16, #tpu.memory_space<vmem_shared>>
    tpu.enqueue_indirect_dma source(%dma_start3A_212 : memref<80x128xbf16, #tpu.memory_space<vmem>>) target(%dma_start3A_218 : memref<10240x128xbf16, #tpu.memory_space<vmem_shared>>) offsets(%dma_start3A_215 : memref<80xi32, #tpu.memory_space<vmem>>) semaphore(%arg18 : memref<!tpu.dma_semaphore, #tpu.memory_space<semaphore_mem>>) {add = true}
    %scan3A_219 = arith.constant 0 : i32
    %scan3A_220 = arith.constant 0 : i32
    %scan3A_221 = arith.constant 5 : i32
    %scan3A_222 = arith.addi %scan3A_220, %scan3A_221 : i32
    %scan3A_223 = arith.constant 1 : i32
    scf.for %scan3A_378 = %scan3A_220 to %scan3A_222 step %scan3A_223  : i32 {
      %mul3A_379 = arith.constant 16 : i32
      %mul3A_380 = arith.muli %scan3A_378, %mul3A_379 : i32
      %get3A = arith.constant 122 : i32
      %get3A_381 = arith.index_cast %get3A : i32 to index
      %get3A_382 = arith.index_cast %mul3A_380 : i32 to index
      %get3A_383 = tpu.vector_load %arg10[%get3A_381, %get3A_382] {strides = array<i32>} : memref<125x80xi32, #tpu.memory_space<vmem>>, vector<16xi32>,
      tpu.vector_store_idx %arg12[%get3A_383], %broadcast_in_dim3A_58 {add = true} : memref<10240xf32, #tpu.memory_space<vmem>>[vector<16xi32>], vector<16xf32>,
    }
    %scan3A_224 = arith.constant 5 : i32
    %dma_wait3A_225 = arith.constant 0 : i32
    %dma_wait3A_226 = arith.constant 120 : i32
    %dma_wait3A_227 = arith.constant 0 : i32
    %dma_wait3A_228 = arith.constant 0 : i32
    %dma_wait3A_229 = tpu.memref_slice %arg11[%dma_wait3A_225, %dma_wait3A_227, %dma_wait3A_228] : memref<3x80x128xbf16, #tpu.memory_space<vmem>> -> memref<1x80x128xbf16, #tpu.memory_space<vmem>>
    %dma_wait3A_230 = tpu.memref_squeeze %dma_wait3A_229 : memref<1x80x128xbf16, #tpu.memory_space<vmem>> -> memref<80x128xbf16, #tpu.memory_space<vmem>>
    %dma_wait3A_231 = arith.constant 0 : i32
    %dma_wait3A_232 = tpu.memref_slice %arg10[%dma_wait3A_226, %dma_wait3A_231] : memref<125x80xi32, #tpu.memory_space<vmem>> -> memref<1x80xi32, #tpu.memory_space<vmem>>
    %dma_wait3A_233 = tpu.memref_squeeze %dma_wait3A_232 : memref<1x80xi32, #tpu.memory_space<vmem>> -> memref<80xi32, #tpu.memory_space<vmem>>
    %dma_wait3A_234 = arith.constant 0 : i32
    %dma_wait3A_235 = arith.constant 0 : i32
    %dma_wait3A_236 = tpu.memref_slice %arg7[%dma_wait3A_234, %dma_wait3A_235] : memref<10240x128xbf16, #tpu.memory_space<vmem_shared>> -> memref<10240x128xbf16, #tpu.memory_space<vmem_shared>>
    tpu.wait_indirect_dma semaphore(%arg16 : memref<!tpu.dma_semaphore, #tpu.memory_space<semaphore_mem>>) src(%dma_wait3A_230 : memref<80x128xbf16, #tpu.memory_space<vmem>>) dst(%dma_wait3A_236 : memref<10240x128xbf16, #tpu.memory_space<vmem_shared>>)
    %dma_start3A_237 = arith.constant 123 : i32
    %dma_start3A_238 = arith.constant 0 : i32
    %dma_start3A_239 = arith.constant 0 : i32
    %dma_start3A_240 = arith.constant 0 : i32
    %dma_start3A_241 = tpu.memref_slice %arg11[%dma_start3A_238, %dma_start3A_239, %dma_start3A_240] : memref<3x80x128xbf16, #tpu.memory_space<vmem>> -> memref<1x80x128xbf16, #tpu.memory_space<vmem>>
    %dma_start3A_242 = tpu.memref_squeeze %dma_start3A_241 : memref<1x80x128xbf16, #tpu.memory_space<vmem>> -> memref<80x128xbf16, #tpu.memory_space<vmem>>
    %dma_start3A_243 = arith.constant 0 : i32
    %dma_start3A_244 = tpu.memref_slice %arg9[%dma_start3A_237, %dma_start3A_243] : memref<125x80xi32, #tpu.memory_space<vmem>> -> memref<1x80xi32, #tpu.memory_space<vmem>>
    %dma_start3A_245 = tpu.memref_squeeze %dma_start3A_244 : memref<1x80xi32, #tpu.memory_space<vmem>> -> memref<80xi32, #tpu.memory_space<vmem>>
    %dma_start3A_246 = arith.constant 0 : i32
    %dma_start3A_247 = arith.constant 0 : i32
    %dma_start3A_248 = tpu.memref_slice %arg2[%dma_start3A_246, %dma_start3A_247] : memref<10000x128xbf16, #tpu.memory_space<hbm>> -> memref<10000x128xbf16, #tpu.memory_space<hbm>>
    tpu.enqueue_indirect_dma source(%dma_start3A_248 : memref<10000x128xbf16, #tpu.memory_space<hbm>>) target(%dma_start3A_242 : memref<80x128xbf16, #tpu.memory_space<vmem>>) offsets(%dma_start3A_245 : memref<80xi32, #tpu.memory_space<vmem>>) semaphore(%arg13 : memref<!tpu.dma_semaphore, #tpu.memory_space<semaphore_mem>>)
    %dma_wait3A_249 = arith.constant 123 : i32
    %dma_wait3A_250 = arith.constant 0 : i32
    %dma_wait3A_251 = arith.constant 0 : i32
    %dma_wait3A_252 = arith.constant 0 : i32
    %dma_wait3A_253 = tpu.memref_slice %arg11[%dma_wait3A_250, %dma_wait3A_251, %dma_wait3A_252] : memref<3x80x128xbf16, #tpu.memory_space<vmem>> -> memref<1x80x128xbf16, #tpu.memory_space<vmem>>
    %dma_wait3A_254 = tpu.memref_squeeze %dma_wait3A_253 : memref<1x80x128xbf16, #tpu.memory_space<vmem>> -> memref<80x128xbf16, #tpu.memory_space<vmem>>
    %dma_wait3A_255 = arith.constant 0 : i32
    %dma_wait3A_256 = tpu.memref_slice %arg9[%dma_wait3A_249, %dma_wait3A_255] : memref<125x80xi32, #tpu.memory_space<vmem>> -> memref<1x80xi32, #tpu.memory_space<vmem>>
    %dma_wait3A_257 = tpu.memref_squeeze %dma_wait3A_256 : memref<1x80xi32, #tpu.memory_space<vmem>> -> memref<80xi32, #tpu.memory_space<vmem>>
    %dma_wait3A_258 = arith.constant 0 : i32
    %dma_wait3A_259 = arith.constant 0 : i32
    %dma_wait3A_260 = tpu.memref_slice %arg2[%dma_wait3A_258, %dma_wait3A_259] : memref<10000x128xbf16, #tpu.memory_space<hbm>> -> memref<10000x128xbf16, #tpu.memory_space<hbm>>
    tpu.wait_indirect_dma semaphore(%arg13 : memref<!tpu.dma_semaphore, #tpu.memory_space<semaphore_mem>>) src(%dma_wait3A_260 : memref<10000x128xbf16, #tpu.memory_space<hbm>>) dst(%dma_wait3A_254 : memref<80x128xbf16, #tpu.memory_space<vmem>>)
    %dma_start3A_261 = arith.constant 0 : i32
    %dma_start3A_262 = arith.constant 123 : i32
    %dma_start3A_263 = arith.constant 0 : i32
    %dma_start3A_264 = arith.constant 0 : i32
    %dma_start3A_265 = tpu.memref_slice %arg11[%dma_start3A_261, %dma_start3A_263, %dma_start3A_264] : memref<3x80x128xbf16, #tpu.memory_space<vmem>> -> memref<1x80x128xbf16, #tpu.memory_space<vmem>>
    %dma_start3A_266 = tpu.memref_squeeze %dma_start3A_265 : memref<1x80x128xbf16, #tpu.memory_space<vmem>> -> memref<80x128xbf16, #tpu.memory_space<vmem>>
    %dma_start3A_267 = arith.constant 0 : i32
    %dma_start3A_268 = tpu.memref_slice %arg10[%dma_start3A_262, %dma_start3A_267] : memref<125x80xi32, #tpu.memory_space<vmem>> -> memref<1x80xi32, #tpu.memory_space<vmem>>
    %dma_start3A_269 = tpu.memref_squeeze %dma_start3A_268 : memref<1x80xi32, #tpu.memory_space<vmem>> -> memref<80xi32, #tpu.memory_space<vmem>>
    %dma_start3A_270 = arith.constant 0 : i32
    %dma_start3A_271 = arith.constant 0 : i32
    %dma_start3A_272 = tpu.memref_slice %arg8[%dma_start3A_270, %dma_start3A_271] : memref<10240x128xbf16, #tpu.memory_space<vmem_shared>> -> memref<10240x128xbf16, #tpu.memory_space<vmem_shared>>
    tpu.enqueue_indirect_dma source(%dma_start3A_266 : memref<80x128xbf16, #tpu.memory_space<vmem>>) target(%dma_start3A_272 : memref<10240x128xbf16, #tpu.memory_space<vmem_shared>>) offsets(%dma_start3A_269 : memref<80xi32, #tpu.memory_space<vmem>>) semaphore(%arg16 : memref<!tpu.dma_semaphore, #tpu.memory_space<semaphore_mem>>) {add = true}
    %scan3A_273 = arith.constant 0 : i32
    %scan3A_274 = arith.constant 0 : i32
    %scan3A_275 = arith.constant 5 : i32
    %scan3A_276 = arith.addi %scan3A_274, %scan3A_275 : i32
    %scan3A_277 = arith.constant 1 : i32
    scf.for %scan3A_378 = %scan3A_274 to %scan3A_276 step %scan3A_277  : i32 {
      %mul3A_379 = arith.constant 16 : i32
      %mul3A_380 = arith.muli %scan3A_378, %mul3A_379 : i32
      %get3A = arith.constant 123 : i32
      %get3A_381 = arith.index_cast %get3A : i32 to index
      %get3A_382 = arith.index_cast %mul3A_380 : i32 to index
      %get3A_383 = tpu.vector_load %arg10[%get3A_381, %get3A_382] {strides = array<i32>} : memref<125x80xi32, #tpu.memory_space<vmem>>, vector<16xi32>,
      tpu.vector_store_idx %arg12[%get3A_383], %broadcast_in_dim3A_58 {add = true} : memref<10240xf32, #tpu.memory_space<vmem>>[vector<16xi32>], vector<16xf32>,
    }
    %scan3A_278 = arith.constant 5 : i32
    %dma_wait3A_279 = arith.constant 1 : i32
    %dma_wait3A_280 = arith.constant 121 : i32
    %dma_wait3A_281 = arith.constant 0 : i32
    %dma_wait3A_282 = arith.constant 0 : i32
    %dma_wait3A_283 = tpu.memref_slice %arg11[%dma_wait3A_279, %dma_wait3A_281, %dma_wait3A_282] : memref<3x80x128xbf16, #tpu.memory_space<vmem>> -> memref<1x80x128xbf16, #tpu.memory_space<vmem>>
    %dma_wait3A_284 = tpu.memref_squeeze %dma_wait3A_283 : memref<1x80x128xbf16, #tpu.memory_space<vmem>> -> memref<80x128xbf16, #tpu.memory_space<vmem>>
    %dma_wait3A_285 = arith.constant 0 : i32
    %dma_wait3A_286 = tpu.memref_slice %arg10[%dma_wait3A_280, %dma_wait3A_285] : memref<125x80xi32, #tpu.memory_space<vmem>> -> memref<1x80xi32, #tpu.memory_space<vmem>>
    %dma_wait3A_287 = tpu.memref_squeeze %dma_wait3A_286 : memref<1x80xi32, #tpu.memory_space<vmem>> -> memref<80xi32, #tpu.memory_space<vmem>>
    %dma_wait3A_288 = arith.constant 0 : i32
    %dma_wait3A_289 = arith.constant 0 : i32
    %dma_wait3A_290 = tpu.memref_slice %arg8[%dma_wait3A_288, %dma_wait3A_289] : memref<10240x128xbf16, #tpu.memory_space<vmem_shared>> -> memref<10240x128xbf16, #tpu.memory_space<vmem_shared>>
    tpu.wait_indirect_dma semaphore(%arg17 : memref<!tpu.dma_semaphore, #tpu.memory_space<semaphore_mem>>) src(%dma_wait3A_284 : memref<80x128xbf16, #tpu.memory_space<vmem>>) dst(%dma_wait3A_290 : memref<10240x128xbf16, #tpu.memory_space<vmem_shared>>)
    %dma_start3A_291 = arith.constant 124 : i32
    %dma_start3A_292 = arith.constant 1 : i32
    %dma_start3A_293 = arith.constant 0 : i32
    %dma_start3A_294 = arith.constant 0 : i32
    %dma_start3A_295 = tpu.memref_slice %arg11[%dma_start3A_292, %dma_start3A_293, %dma_start3A_294] : memref<3x80x128xbf16, #tpu.memory_space<vmem>> -> memref<1x80x128xbf16, #tpu.memory_space<vmem>>
    %dma_start3A_296 = tpu.memref_squeeze %dma_start3A_295 : memref<1x80x128xbf16, #tpu.memory_space<vmem>> -> memref<80x128xbf16, #tpu.memory_space<vmem>>
    %dma_start3A_297 = arith.constant 0 : i32
    %dma_start3A_298 = tpu.memref_slice %arg9[%dma_start3A_291, %dma_start3A_297] : memref<125x80xi32, #tpu.memory_space<vmem>> -> memref<1x80xi32, #tpu.memory_space<vmem>>
    %dma_start3A_299 = tpu.memref_squeeze %dma_start3A_298 : memref<1x80xi32, #tpu.memory_space<vmem>> -> memref<80xi32, #tpu.memory_space<vmem>>
    %dma_start3A_300 = arith.constant 0 : i32
    %dma_start3A_301 = arith.constant 0 : i32
    %dma_start3A_302 = tpu.memref_slice %arg2[%dma_start3A_300, %dma_start3A_301] : memref<10000x128xbf16, #tpu.memory_space<hbm>> -> memref<10000x128xbf16, #tpu.memory_space<hbm>>
    tpu.enqueue_indirect_dma source(%dma_start3A_302 : memref<10000x128xbf16, #tpu.memory_space<hbm>>) target(%dma_start3A_296 : memref<80x128xbf16, #tpu.memory_space<vmem>>) offsets(%dma_start3A_299 : memref<80xi32, #tpu.memory_space<vmem>>) semaphore(%arg14 : memref<!tpu.dma_semaphore, #tpu.memory_space<semaphore_mem>>)
    %dma_wait3A_303 = arith.constant 124 : i32
    %dma_wait3A_304 = arith.constant 1 : i32
    %dma_wait3A_305 = arith.constant 0 : i32
    %dma_wait3A_306 = arith.constant 0 : i32
    %dma_wait3A_307 = tpu.memref_slice %arg11[%dma_wait3A_304, %dma_wait3A_305, %dma_wait3A_306] : memref<3x80x128xbf16, #tpu.memory_space<vmem>> -> memref<1x80x128xbf16, #tpu.memory_space<vmem>>
    %dma_wait3A_308 = tpu.memref_squeeze %dma_wait3A_307 : memref<1x80x128xbf16, #tpu.memory_space<vmem>> -> memref<80x128xbf16, #tpu.memory_space<vmem>>
    %dma_wait3A_309 = arith.constant 0 : i32
    %dma_wait3A_310 = tpu.memref_slice %arg9[%dma_wait3A_303, %dma_wait3A_309] : memref<125x80xi32, #tpu.memory_space<vmem>> -> memref<1x80xi32, #tpu.memory_space<vmem>>
    %dma_wait3A_311 = tpu.memref_squeeze %dma_wait3A_310 : memref<1x80xi32, #tpu.memory_space<vmem>> -> memref<80xi32, #tpu.memory_space<vmem>>
    %dma_wait3A_312 = arith.constant 0 : i32
    %dma_wait3A_313 = arith.constant 0 : i32
    %dma_wait3A_314 = tpu.memref_slice %arg2[%dma_wait3A_312, %dma_wait3A_313] : memref<10000x128xbf16, #tpu.memory_space<hbm>> -> memref<10000x128xbf16, #tpu.memory_space<hbm>>
    tpu.wait_indirect_dma semaphore(%arg14 : memref<!tpu.dma_semaphore, #tpu.memory_space<semaphore_mem>>) src(%dma_wait3A_314 : memref<10000x128xbf16, #tpu.memory_space<hbm>>) dst(%dma_wait3A_308 : memref<80x128xbf16, #tpu.memory_space<vmem>>)
    %dma_start3A_315 = arith.constant 1 : i32
    %dma_start3A_316 = arith.constant 124 : i32
    %dma_start3A_317 = arith.constant 0 : i32
    %dma_start3A_318 = arith.constant 0 : i32
    %dma_start3A_319 = tpu.memref_slice %arg11[%dma_start3A_315, %dma_start3A_317, %dma_start3A_318] : memref<3x80x128xbf16, #tpu.memory_space<vmem>> -> memref<1x80x128xbf16, #tpu.memory_space<vmem>>
    %dma_start3A_320 = tpu.memref_squeeze %dma_start3A_319 : memref<1x80x128xbf16, #tpu.memory_space<vmem>> -> memref<80x128xbf16, #tpu.memory_space<vmem>>
    %dma_start3A_321 = arith.constant 0 : i32
    %dma_start3A_322 = tpu.memref_slice %arg10[%dma_start3A_316, %dma_start3A_321] : memref<125x80xi32, #tpu.memory_space<vmem>> -> memref<1x80xi32, #tpu.memory_space<vmem>>
    %dma_start3A_323 = tpu.memref_squeeze %dma_start3A_322 : memref<1x80xi32, #tpu.memory_space<vmem>> -> memref<80xi32, #tpu.memory_space<vmem>>
    %dma_start3A_324 = arith.constant 0 : i32
    %dma_start3A_325 = arith.constant 0 : i32
    %dma_start3A_326 = tpu.memref_slice %arg7[%dma_start3A_324, %dma_start3A_325] : memref<10240x128xbf16, #tpu.memory_space<vmem_shared>> -> memref<10240x128xbf16, #tpu.memory_space<vmem_shared>>
    tpu.enqueue_indirect_dma source(%dma_start3A_320 : memref<80x128xbf16, #tpu.memory_space<vmem>>) target(%dma_start3A_326 : memref<10240x128xbf16, #tpu.memory_space<vmem_shared>>) offsets(%dma_start3A_323 : memref<80xi32, #tpu.memory_space<vmem>>) semaphore(%arg17 : memref<!tpu.dma_semaphore, #tpu.memory_space<semaphore_mem>>) {add = true}
    %scan3A_327 = arith.constant 0 : i32
    %scan3A_328 = arith.constant 0 : i32
    %scan3A_329 = arith.constant 5 : i32
    %scan3A_330 = arith.addi %scan3A_328, %scan3A_329 : i32
    %scan3A_331 = arith.constant 1 : i32
    scf.for %scan3A_378 = %scan3A_328 to %scan3A_330 step %scan3A_331  : i32 {
      %mul3A_379 = arith.constant 16 : i32
      %mul3A_380 = arith.muli %scan3A_378, %mul3A_379 : i32
      %get3A = arith.constant 124 : i32
      %get3A_381 = arith.index_cast %get3A : i32 to index
      %get3A_382 = arith.index_cast %mul3A_380 : i32 to index
      %get3A_383 = tpu.vector_load %arg10[%get3A_381, %get3A_382] {strides = array<i32>} : memref<125x80xi32, #tpu.memory_space<vmem>>, vector<16xi32>,
      tpu.vector_store_idx %arg12[%get3A_383], %broadcast_in_dim3A_58 {add = true} : memref<10240xf32, #tpu.memory_space<vmem>>[vector<16xi32>], vector<16xf32>,
    }
    %scan3A_332 = arith.constant 5 : i32
    %dma_wait3A_333 = arith.constant 2 : i32
    %dma_wait3A_334 = arith.constant 122 : i32
    %dma_wait3A_335 = arith.constant 0 : i32
    %dma_wait3A_336 = arith.constant 0 : i32
    %dma_wait3A_337 = tpu.memref_slice %arg11[%dma_wait3A_333, %dma_wait3A_335, %dma_wait3A_336] : memref<3x80x128xbf16, #tpu.memory_space<vmem>> -> memref<1x80x128xbf16, #tpu.memory_space<vmem>>
    %dma_wait3A_338 = tpu.memref_squeeze %dma_wait3A_337 : memref<1x80x128xbf16, #tpu.memory_space<vmem>> -> memref<80x128xbf16, #tpu.memory_space<vmem>>
    %dma_wait3A_339 = arith.constant 0 : i32
    %dma_wait3A_340 = tpu.memref_slice %arg10[%dma_wait3A_334, %dma_wait3A_339] : memref<125x80xi32, #tpu.memory_space<vmem>> -> memref<1x80xi32, #tpu.memory_space<vmem>>
    %dma_wait3A_341 = tpu.memref_squeeze %dma_wait3A_340 : memref<1x80xi32, #tpu.memory_space<vmem>> -> memref<80xi32, #tpu.memory_space<vmem>>
    %dma_wait3A_342 = arith.constant 0 : i32
    %dma_wait3A_343 = arith.constant 0 : i32
    %dma_wait3A_344 = tpu.memref_slice %arg7[%dma_wait3A_342, %dma_wait3A_343] : memref<10240x128xbf16, #tpu.memory_space<vmem_shared>> -> memref<10240x128xbf16, #tpu.memory_space<vmem_shared>>
    tpu.wait_indirect_dma semaphore(%arg18 : memref<!tpu.dma_semaphore, #tpu.memory_space<semaphore_mem>>) src(%dma_wait3A_338 : memref<80x128xbf16, #tpu.memory_space<vmem>>) dst(%dma_wait3A_344 : memref<10240x128xbf16, #tpu.memory_space<vmem_shared>>)
    %dma_wait3A_345 = arith.constant 0 : i32
    %dma_wait3A_346 = arith.constant 123 : i32
    %dma_wait3A_347 = arith.constant 0 : i32
    %dma_wait3A_348 = arith.constant 0 : i32
    %dma_wait3A_349 = tpu.memref_slice %arg11[%dma_wait3A_345, %dma_wait3A_347, %dma_wait3A_348] : memref<3x80x128xbf16, #tpu.memory_space<vmem>> -> memref<1x80x128xbf16, #tpu.memory_space<vmem>>
    %dma_wait3A_350 = tpu.memref_squeeze %dma_wait3A_349 : memref<1x80x128xbf16, #tpu.memory_space<vmem>> -> memref<80x128xbf16, #tpu.memory_space<vmem>>
    %dma_wait3A_351 = arith.constant 0 : i32
    %dma_wait3A_352 = tpu.memref_slice %arg10[%dma_wait3A_346, %dma_wait3A_351] : memref<125x80xi32, #tpu.memory_space<vmem>> -> memref<1x80xi32, #tpu.memory_space<vmem>>
    %dma_wait3A_353 = tpu.memref_squeeze %dma_wait3A_352 : memref<1x80xi32, #tpu.memory_space<vmem>> -> memref<80xi32, #tpu.memory_space<vmem>>
    %dma_wait3A_354 = arith.constant 0 : i32
    %dma_wait3A_355 = arith.constant 0 : i32
    %dma_wait3A_356 = tpu.memref_slice %arg8[%dma_wait3A_354, %dma_wait3A_355] : memref<10240x128xbf16, #tpu.memory_space<vmem_shared>> -> memref<10240x128xbf16, #tpu.memory_space<vmem_shared>>
    tpu.wait_indirect_dma semaphore(%arg16 : memref<!tpu.dma_semaphore, #tpu.memory_space<semaphore_mem>>) src(%dma_wait3A_350 : memref<80x128xbf16, #tpu.memory_space<vmem>>) dst(%dma_wait3A_356 : memref<10240x128xbf16, #tpu.memory_space<vmem_shared>>)
    %dma_wait3A_357 = arith.constant 1 : i32
    %dma_wait3A_358 = arith.constant 124 : i32
    %dma_wait3A_359 = arith.constant 0 : i32
    %dma_wait3A_360 = arith.constant 0 : i32
    %dma_wait3A_361 = tpu.memref_slice %arg11[%dma_wait3A_357, %dma_wait3A_359, %dma_wait3A_360] : memref<3x80x128xbf16, #tpu.memory_space<vmem>> -> memref<1x80x128xbf16, #tpu.memory_space<vmem>>
    %dma_wait3A_362 = tpu.memref_squeeze %dma_wait3A_361 : memref<1x80x128xbf16, #tpu.memory_space<vmem>> -> memref<80x128xbf16, #tpu.memory_space<vmem>>
    %dma_wait3A_363 = arith.constant 0 : i32
    %dma_wait3A_364 = tpu.memref_slice %arg10[%dma_wait3A_358, %dma_wait3A_363] : memref<125x80xi32, #tpu.memory_space<vmem>> -> memref<1x80xi32, #tpu.memory_space<vmem>>
    %dma_wait3A_365 = tpu.memref_squeeze %dma_wait3A_364 : memref<1x80xi32, #tpu.memory_space<vmem>> -> memref<80xi32, #tpu.memory_space<vmem>>
    %dma_wait3A_366 = arith.constant 0 : i32
    %dma_wait3A_367 = arith.constant 0 : i32
    %dma_wait3A_368 = tpu.memref_slice %arg7[%dma_wait3A_366, %dma_wait3A_367] : memref<10240x128xbf16, #tpu.memory_space<vmem_shared>> -> memref<10240x128xbf16, #tpu.memory_space<vmem_shared>>
    tpu.wait_indirect_dma semaphore(%arg17 : memref<!tpu.dma_semaphore, #tpu.memory_space<semaphore_mem>>) src(%dma_wait3A_362 : memref<80x128xbf16, #tpu.memory_space<vmem>>) dst(%dma_wait3A_368 : memref<10240x128xbf16, #tpu.memory_space<vmem_shared>>)
    "tpu.region"() ({
      %run_scoped3A_378 = tpu.sem_alloc : memref<!tpu.dma_semaphore, #tpu.memory_space<semaphore_mem>>
      %dma_start3A_379 = arith.constant 0 : i32
      %dma_start3A_380 = tpu.memref_slice %arg6[%add3A, %dma_start3A_379] : memref<32x10240xf32, #tpu.memory_space<hbm>> -> memref<1x10240xf32, #tpu.memory_space<hbm>>
      %dma_start3A_381 = tpu.memref_squeeze %dma_start3A_380 : memref<1x10240xf32, #tpu.memory_space<hbm>> -> memref<10240xf32, #tpu.memory_space<hbm>>
      %dma_start3A_382 = arith.constant 0 : i32
      %dma_start3A_383 = tpu.memref_slice %arg6[%add3A, %dma_start3A_382] : memref<32x10240xf32, #tpu.memory_space<hbm>> -> memref<1x10240xf32, #tpu.memory_space<hbm>>
      %dma_start3A_384 = tpu.memref_squeeze %dma_start3A_383 : memref<1x10240xf32, #tpu.memory_space<hbm>> -> memref<10240xf32, #tpu.memory_space<hbm>>
      tpu.enqueue_dma source(%arg12 : memref<10240xf32, #tpu.memory_space<vmem>>) target(%dma_start3A_384 : memref<10240xf32, #tpu.memory_space<hbm>>) target_semaphore(%run_scoped3A_378 : memref<!tpu.dma_semaphore, #tpu.memory_space<semaphore_mem>>)
      %dma_wait3A_385 = arith.constant 0 : i32
      %dma_wait3A_386 = tpu.memref_slice %arg6[%add3A, %dma_wait3A_385] : memref<32x10240xf32, #tpu.memory_space<hbm>> -> memref<1x10240xf32, #tpu.memory_space<hbm>>
      %dma_wait3A_387 = tpu.memref_squeeze %dma_wait3A_386 : memref<1x10240xf32, #tpu.memory_space<hbm>> -> memref<10240xf32, #tpu.memory_space<hbm>>
      %dma_wait3A_388 = arith.constant 0 : i32
      %dma_wait3A_389 = tpu.memref_slice %arg6[%add3A, %dma_wait3A_388] : memref<32x10240xf32, #tpu.memory_space<hbm>> -> memref<1x10240xf32, #tpu.memory_space<hbm>>
      %dma_wait3A_390 = tpu.memref_squeeze %dma_wait3A_389 : memref<1x10240xf32, #tpu.memory_space<hbm>> -> memref<10240xf32, #tpu.memory_space<hbm>>
      tpu.wait_dma2 semaphore(%run_scoped3A_378 : memref<!tpu.dma_semaphore, #tpu.memory_space<semaphore_mem>>) src(%arg12 : memref<10240xf32, #tpu.memory_space<vmem>>) dst(%dma_wait3A_390 : memref<10240xf32, #tpu.memory_space<hbm>>)
      tpu.yield
    }) : () -> ()
    %barrier3A_369 = arith.constant 0 : index
    tpu.barrier barrier_id(%barrier3A_369)
    %mul3A_370 = arith.constant 2 : i32
    %mul3A_371 = arith.muli %mul3A_370, %arg0 : i32
    %add3A_372 = arith.constant 0 : i32
    %add3A_373 = arith.addi %mul3A_371, %add3A_372 : i32
    "tpu.region"() ({
      %run_scoped3A_378 = tpu.sem_alloc : memref<!tpu.dma_semaphore, #tpu.memory_space<semaphore_mem>>
      %dma_start3A_379 = arith.constant 0 : i32
      %dma_start3A_380 = tpu.memref_slice %arg5[%add3A_373, %mul3A_8, %dma_start3A_379] : memref<4x10240x128xbf16, #tpu.memory_space<hbm>> -> memref<1x640x128xbf16, #tpu.memory_space<hbm>>
      %dma_start3A_381 = tpu.memref_squeeze %dma_start3A_380 : memref<1x640x128xbf16, #tpu.memory_space<hbm>> -> memref<640x128xbf16, #tpu.memory_space<hbm>>
      %dma_start3A_382 = arith.constant 0 : i32
      %dma_start3A_383 = tpu.memref_slice %arg7[%mul3A_8, %dma_start3A_382] : memref<10240x128xbf16, #tpu.memory_space<vmem_shared>> -> memref<640x128xbf16, #tpu.memory_space<vmem_shared>>
      tpu.enqueue_dma source(%dma_start3A_383 : memref<640x128xbf16, #tpu.memory_space<vmem_shared>>) target(%dma_start3A_381 : memref<640x128xbf16, #tpu.memory_space<hbm>>) target_semaphore(%run_scoped3A_378 : memref<!tpu.dma_semaphore, #tpu.memory_space<semaphore_mem>>)
      %dma_wait3A_384 = arith.constant 0 : i32
      %dma_wait3A_385 = tpu.memref_slice %arg5[%add3A_373, %mul3A_8, %dma_wait3A_384] : memref<4x10240x128xbf16, #tpu.memory_space<hbm>> -> memref<1x640x128xbf16, #tpu.memory_space<hbm>>
      %dma_wait3A_386 = tpu.memref_squeeze %dma_wait3A_385 : memref<1x640x128xbf16, #tpu.memory_space<hbm>> -> memref<640x128xbf16, #tpu.memory_space<hbm>>
      %dma_wait3A_387 = arith.constant 0 : i32
      %dma_wait3A_388 = tpu.memref_slice %arg7[%mul3A_8, %dma_wait3A_387] : memref<10240x128xbf16, #tpu.memory_space<vmem_shared>> -> memref<640x128xbf16, #tpu.memory_space<vmem_shared>>
      tpu.wait_dma2 semaphore(%run_scoped3A_378 : memref<!tpu.dma_semaphore, #tpu.memory_space<semaphore_mem>>) src(%dma_wait3A_388 : memref<640x128xbf16, #tpu.memory_space<vmem_shared>>) dst(%dma_wait3A_386 : memref<640x128xbf16, #tpu.memory_space<hbm>>)
      tpu.yield
    }) : () -> ()
    %mul3A_374 = arith.constant 2 : i32
    %mul3A_375 = arith.muli %mul3A_374, %arg0 : i32
    %add3A_376 = arith.constant 1 : i32
    %add3A_377 = arith.addi %mul3A_375, %add3A_376 : i32
    "tpu.region"() ({
      %run_scoped3A_378 = tpu.sem_alloc : memref<!tpu.dma_semaphore, #tpu.memory_space<semaphore_mem>>
      %dma_start3A_379 = arith.constant 0 : i32
      %dma_start3A_380 = tpu.memref_slice %arg5[%add3A_377, %mul3A_8, %dma_start3A_379] : memref<4x10240x128xbf16, #tpu.memory_space<hbm>> -> memref<1x640x128xbf16, #tpu.memory_space<hbm>>
      %dma_start3A_381 = tpu.memref_squeeze %dma_start3A_380 : memref<1x640x128xbf16, #tpu.memory_space<hbm>> -> memref<640x128xbf16, #tpu.memory_space<hbm>>
      %dma_start3A_382 = arith.constant 0 : i32
      %dma_start3A_383 = tpu.memref_slice %arg8[%mul3A_8, %dma_start3A_382] : memref<10240x128xbf16, #tpu.memory_space<vmem_shared>> -> memref<640x128xbf16, #tpu.memory_space<vmem_shared>>
      tpu.enqueue_dma source(%dma_start3A_383 : memref<640x128xbf16, #tpu.memory_space<vmem_shared>>) target(%dma_start3A_381 : memref<640x128xbf16, #tpu.memory_space<hbm>>) target_semaphore(%run_scoped3A_378 : memref<!tpu.dma_semaphore, #tpu.memory_space<semaphore_mem>>)
      %dma_wait3A_384 = arith.constant 0 : i32
      %dma_wait3A_385 = tpu.memref_slice %arg5[%add3A_377, %mul3A_8, %dma_wait3A_384] : memref<4x10240x128xbf16, #tpu.memory_space<hbm>> -> memref<1x640x128xbf16, #tpu.memory_space<hbm>>
      %dma_wait3A_386 = tpu.memref_squeeze %dma_wait3A_385 : memref<1x640x128xbf16, #tpu.memory_space<hbm>> -> memref<640x128xbf16, #tpu.memory_space<hbm>>
      %dma_wait3A_387 = arith.constant 0 : i32
      %dma_wait3A_388 = tpu.memref_slice %arg8[%mul3A_8, %dma_wait3A_387] : memref<10240x128xbf16, #tpu.memory_space<vmem_shared>> -> memref<640x128xbf16, #tpu.memory_space<vmem_shared>>
      tpu.wait_dma2 semaphore(%run_scoped3A_378 : memref<!tpu.dma_semaphore, #tpu.memory_space<semaphore_mem>>) src(%dma_wait3A_388 : memref<640x128xbf16, #tpu.memory_space<vmem_shared>>) dst(%dma_wait3A_386 : memref<640x128xbf16, #tpu.memory_space<hbm>>)
      tpu.yield
    }) : () -> ()
    return
  }
}

module attributes {stable_mosaic.version = 14 : i64} {
  func.func @_tc_body(%arg0: i32, %arg1: memref<4x1024x128xbf16, #tpu.memory_space<vmem>>, %arg2: memref<32x1024xf32, #tpu.memory_space<vmem>>, %arg3: memref<128x128xf32, #tpu.memory_space<vmem>>, %arg4: memref<1024x128xf32, #tpu.memory_space<vmem>>) attributes {dimension_semantics = [#tpu.dimension_semantics<arbitrary>], iteration_bounds = array<i64: 10>, scalar_prefetch = 0 : i64, scratch_operands = 0 : i64, tpu.core_type = #tpu.core_type<tc>, window_params = [{transform_indices = @transform_0, window_bounds = array<i64: 4, 1024, 128>}, {transform_indices = @transform_1, window_bounds = array<i64: 32, 1024>}, {pipeline_mode = #tpu.pipeline_mode<synchronous>, transform_indices = @transform_2, window_bounds = array<i64: 128, 128>}, {transform_indices = @transform_3, window_bounds = array<i64: 1024, 128>}]} {
    %get3A = arith.constant 0 : index
    %get3A_0 = arith.constant 0 : index
    %get3A_1 = arith.constant 0 : index
    %get3A_2 = vector.load %arg1[%get3A, %get3A_0, %get3A_1] : memref<4x1024x128xbf16, #tpu.memory_space<vmem>>, vector<4x1024x128xbf16>
    %convert_element_type3A = arith.extf %get3A_2 : vector<4x1024x128xbf16> to vector<4x1024x128xf32>
    %slice3A = vector.extract_strided_slice %convert_element_type3A {offsets = [0, 0, 0], sizes = [1, 1024, 128], strides = [1, 1, 1]} : vector<4x1024x128xf32> to vector<1x1024x128xf32>
    %squeeze3A = vector.shape_cast %slice3A : vector<1x1024x128xf32> to vector<1024x128xf32>
    %slice3A_3 = vector.extract_strided_slice %convert_element_type3A {offsets = [1, 0, 0], sizes = [1, 1024, 128], strides = [1, 1, 1]} : vector<4x1024x128xf32> to vector<1x1024x128xf32>
    %squeeze3A_4 = vector.shape_cast %slice3A_3 : vector<1x1024x128xf32> to vector<1024x128xf32>
    %add3A = arith.addf %squeeze3A, %squeeze3A_4 : vector<1024x128xf32>
    %slice3A_5 = vector.extract_strided_slice %convert_element_type3A {offsets = [2, 0, 0], sizes = [1, 1024, 128], strides = [1, 1, 1]} : vector<4x1024x128xf32> to vector<1x1024x128xf32>
    %squeeze3A_6 = vector.shape_cast %slice3A_5 : vector<1x1024x128xf32> to vector<1024x128xf32>
    %slice3A_7 = vector.extract_strided_slice %convert_element_type3A {offsets = [3, 0, 0], sizes = [1, 1024, 128], strides = [1, 1, 1]} : vector<4x1024x128xf32> to vector<1x1024x128xf32>
    %squeeze3A_8 = vector.shape_cast %slice3A_7 : vector<1x1024x128xf32> to vector<1024x128xf32>
    %add3A_9 = arith.addf %squeeze3A_6, %squeeze3A_8 : vector<1024x128xf32>
    %add3A_10 = arith.addf %add3A, %add3A_9 : vector<1024x128xf32>
    %get3A_11 = arith.constant 0 : index
    %get3A_12 = arith.constant 0 : index
    %get3A_13 = vector.load %arg3[%get3A_11, %get3A_12] : memref<128x128xf32, #tpu.memory_space<vmem>>, vector<128x128xf32>
    %dot_general3A = arith.constant dense<0.000000e+00> : vector<1024x128xf32>
    %dot_general3A_14 = tpu.matmul %add3A_10, %get3A_13, %dot_general3A {dimension_numbers = #tpu.dot_dimension_numbers<[1], [0], [0], [1], [0, 0, 1, 1], [], []>, transpose_lhs_hint = false} : vector<1024x128xf32>, vector<128x128xf32>, vector<1024x128xf32> -> vector<1024x128xf32>
    %get3A_15 = arith.constant 0 : index
    %get3A_16 = arith.constant 0 : index
    %get3A_17 = vector.load %arg2[%get3A_15, %get3A_16] : memref<32x1024xf32, #tpu.memory_space<vmem>>, vector<32x1024xf32>
    %transpose3A = tpu.transpose %get3A_17, [1, 0] : vector<32x1024xf32> -> vector<1024x32xf32>
    %reduce_sum3A = arith.constant dense<0.000000e+00> : vector<1024xf32>
    %reduce_sum3A_18 = vector.multi_reduction <add>, %transpose3A, %reduce_sum3A [1] : vector<1024x32xf32> to vector<1024xf32>
    %broadcast_in_dim3A = vector.shape_cast %reduce_sum3A_18 : vector<1024xf32> to vector<1024x1xf32>
    %max3A = arith.constant 1.000000e+00 : f32
    %max3A_19 = vector.broadcast %max3A : f32 to vector<1024x1xf32>
    %max3A_20 = arith.maximumf %broadcast_in_dim3A, %max3A_19 : vector<1024x1xf32>
    %rsqrt3A = math.rsqrt %max3A_20 : vector<1024x1xf32>
    %mul3A = vector.broadcast %rsqrt3A : vector<1024x1xf32> to vector<1024x128xf32>
    %mul3A_21 = arith.mulf %dot_general3A_14, %mul3A : vector<1024x128xf32>
    %swap3A = arith.constant 0 : index
    %swap3A_22 = arith.constant 0 : index
    %swap3A_23 = vector.load %arg4[%swap3A, %swap3A_22] : memref<1024x128xf32, #tpu.memory_space<vmem>>, vector<1024x128xf32>
    tpu.vector_store %arg4[%swap3A, %swap3A_22], %mul3A_21 {strides = array<i32>} : memref<1024x128xf32, #tpu.memory_space<vmem>>, vector<1024x128xf32>,
    return
  }
  func.func @transform_0(%arg0: i32) -> (i32, i32, i32) {
    %c0_i32 = arith.constant 0 : i32
    %c0_i32_0 = arith.constant 0 : i32
    %c0_i32_1 = arith.constant 0 : i32
    return %c0_i32, %arg0, %c0_i32_0 : i32, i32, i32
  }
  func.func @transform_1(%arg0: i32) -> (i32, i32) {
    %c0_i32 = arith.constant 0 : i32
    %c0_i32_0 = arith.constant 0 : i32
    return %c0_i32, %arg0 : i32, i32
  }
  func.func @transform_2(%arg0: i32) -> (i32, i32) {
    %c0_i32 = arith.constant 0 : i32
    %c0_i32_0 = arith.constant 0 : i32
    %c0_i32_1 = arith.constant 0 : i32
    return %c0_i32, %c0_i32_0 : i32, i32
  }
  func.func @transform_3(%arg0: i32) -> (i32, i32) {
    %c0_i32 = arith.constant 0 : i32
    %c0_i32_0 = arith.constant 0 : i32
    return %arg0, %c0_i32 : i32, i32
  }
}

</mosaic_0001>

<sc_bundles>
// kernel: kernel.4.cloned.1.call-start
scs
__scs_entry_jumppad:
0x0: {  	(pc) =	sbr.rel $0x88, $3  }
0x1: {  	(tag) =	ssettag $0x0;
	lr =	simm.s32 $0x1  }
0x2: {  	[smem:$0x3F9E] =	sst lr;
	_ =	strace $0xD0000000  }
0x3: {  	_ = 	snop  }
0x4: {  	_ = 	snop  }
0x5: {  	_ = 	snop  }
0x6: {  	_ = 	snop  }
0x7: {  	_ = 	snop  }
__scs_overlays_trampoline_lowered:
0x8: {  	[smem:$0x3FAD] =	sst s0  }
0x9: {  	[smem:$0x3FAE] =	sst s1  }
0xa: {  	[smem:$0x3FAF] =	sst s2  }
0xb: {  	[smem:$0x3FB0] =	sst s3  }
0xc: {  	[smem:$0x3FB1] =	sst s4  }
0xd: {  	[smem:$0x3FB2] =	sst s5  }
0xe: {  	[smem:$0x3FB3] =	sst s6  }
0xf: {  	[smem:$0x3FB4] =	sst s7  }
0x10: {  	[smem:$0x3FB5] =	sst s8  }
0x11: {  	[smem:$0x3FB6] =	sst s9;
	s0 =	simm.s32 @!p0 $0x0  }
0x12: {  	s1 =	sld [smem:$0x3F9C];
	s0 =	simm.s32 @p0 $0x1  }
0x13: {  	[smem:$0x3FB7] =	sst s0;
	s0 =	simm.s32 @!p1 $0x0  }
0x14: {  	s2 =	sld [smem:$0x3F9B];
	s0 =	simm.s32 @p1 $0x1  }
0x15: {  	[smem:$0x3FB8] =	sst s0;
	s0 =	simm.s32 @!p2 $0x0  }
0x16: {  	s3 =	sld [smem:$0x3FDB];
	s0 =	simm.s32 @p2 $0x1  }
0x17: {  	s4 =	simm.s32 $0x1BF5;
	[smem:$0x3FBA] =	sst s0  }
0x18: {  	s0 =	sld [smem:$0x3F9D];
	_ =	swait.ge [sflag:s4], $0x0  }
0x19: {  	s7 =	sld [smem:$0x3F9E]  }
0x1a: {  	s8 =	sadd.s32 $0xFFFFE003, lr  }
0x1b: {  	s9 =	sadd.s32 $0xFFFFFEF7, lr;
	s5 =	simm.s32 $0xFFFFFFFF;
	p2 =	slt.u32 s8, $0xFFFFF086  }
0x1c: {  	p1 =	slt.u32 s9, $0xF7A;
	s5 =	simm.s32 @!p2 $0x0  }
0x1d: {  	s5 =	simm.s32 @p1 $0x1;
	p0 =	seq.s32 s7, s2  }
0x1e: {  	s7 =	smul.u32 @!p0 $0xF7A, s2;
	p2 =	seq.s32 @!p0 s5, $0x0  }
0x1f: {  	s9 =	smul.u32 $0xF7A, s1;
	s8 =	simm.s32 @!p0 $0x1BF5;
	p2 =	por !p2, p0  }
0x20: {  	[sflag:s8] =	ssyncset.s32 @!p0 $0xFFFFF086;
	s6 =	sadd.s32 @!p0 s3, s7;
	s7 =	simm.s32 @!p0 $0x108  }
0x21: {  	s3 =	sadd.s32 s3, s9;
	s6 =	sadd.s32 @!p0 $0x88, s6;
	s7 =	simm.s32 @p2 $0x1082  }
0x22: {  	[simem:s7], [sflag:s8] =	dma.local @!p0 [hbm:s6], $0xF7A  }
0x23: {  	s9 =	sor.u32 $0xD0000000, s2;
	s6 =	simm.s32 $0x108;
	_ =	swait.ge @!p0 [sflag:s8], $0x0  }
0x24: {  	s3 =	sadd.s32 $0x88, s3;
	s6 =	simm.s32 @!p1 $0x1082;
	[sflag:s4] =	ssyncset.s32 $0xFFFFF086  }
0x25: {  	[simem:s6], [sflag:s4] =	dma.local [hbm:s3], $0xF7A  }
0x26: {  	[smem:$0x3F9E] =	sst s1;
	(tag) =	ssettag s2;
	_ =	strace s9  }
0x27: {  	s1 =	sld [smem:$0x3FAE]  }
0x28: {  	s2 =	sld [smem:$0x3FAF]  }
0x29: {  	s4 =	sld [smem:$0x3FB1]  }
0x2a: {  	p0 =	seq.s32 s5, $0x0;
	s5 =	sld [smem:$0x3FB2]  }
0x2b: {  	s6 =	sld [smem:$0x3FB3]  }
0x2c: {  	s7 =	sld [smem:$0x3FB4]  }
0x2d: {  	s3 =	simm.s32 $0x108;
	s8 =	sld [smem:$0x3FB5]  }
0x2e: {  	s3 =	simm.s32 @!p0 $0x1082;
	s9 =	sld [smem:$0x3FB6]  }
0x2f: {  	lr =	sadd.s32 s0, s3;
	s0 =	sld [smem:$0x3FAD]  }
0x30: {  	s3 =	sld [smem:$0x3FB0]  }
0x31: {  	[smem:$0x3FB9] =	sst s10  }
0x32: {  	s10 =	sld [smem:$0x3FB7];
	_ =	sdelay $0x3  }
0x33: {  	p0 =	seq.s32 s10, $0x1;
	s10 =	sld [smem:$0x3FB9];
	_ =	sdelay $0x3  }
0x34: {  	[smem:$0x3FB9] =	sst s10  }
0x35: {  	s10 =	sld [smem:$0x3FB8];
	_ =	sdelay $0x3  }
0x36: {  	p1 =	seq.s32 s10, $0x1;
	s10 =	sld [smem:$0x3FB9];
	_ =	sdelay $0x3  }
0x37: {  	[smem:$0x3FB9] =	sst s10  }
0x38: {  	s10 =	sld [smem:$0x3FBA]  }
0x39: {  	_ = 	snop;
	(pc) =	sbr.ind lr, $3  }
0x3a: {  	_ = 	snop  }
0x3b: {  	_ = 	snop  }
0x3c: {  	p2 =	seq.s32 s10, $0x1;
	s10 =	sld [smem:$0x3FB9]  }
0x3d: {  	_ =	shalt  }
0x3e: {  	_ =	shalt  }
0x3f: {  	_ =	shalt  }
0x40: {  	_ =	shalt  }
0x41: {  	_ =	shalt  }
0x42: {  	_ =	shalt  }
0x43: {  	_ =	shalt  }
0x44: {  	_ =	shalt  }
0x45: {  	_ =	shalt  }
0x46: {  	_ =	shalt  }
0x47: {  	_ =	shalt  }
0x48: {  	_ =	shalt  }
0x49: {  	_ =	shalt  }
0x4a: {  	_ =	shalt  }
0x4b: {  	_ =	shalt  }
0x4c: {  	_ =	shalt  }
0x4d: {  	_ =	shalt  }
0x4e: {  	_ =	shalt  }
0x4f: {  	_ =	shalt  }
0x50: {  	_ =	shalt  }
0x51: {  	_ =	shalt  }
0x52: {  	_ =	shalt  }
0x53: {  	_ =	shalt  }
0x54: {  	_ =	shalt  }
0x55: {  	_ =	shalt  }
0x56: {  	_ =	shalt  }
0x57: {  	_ =	shalt  }
0x58: {  	_ =	shalt  }
0x59: {  	_ =	shalt  }
0x5a: {  	_ =	shalt  }
0x5b: {  	_ =	shalt  }
0x5c: {  	_ =	shalt  }
0x5d: {  	_ =	shalt  }
0x5e: {  	_ =	shalt  }
0x5f: {  	_ =	shalt  }
0x60: {  	_ =	shalt  }
0x61: {  	_ =	shalt  }
0x62: {  	_ =	shalt  }
0x63: {  	_ =	shalt  }
0x64: {  	_ =	shalt  }
0x65: {  	_ =	shalt  }
0x66: {  	_ =	shalt  }
0x67: {  	_ =	shalt  }
0x68: {  	_ =	shalt  }
0x69: {  	_ =	shalt  }
0x6a: {  	_ =	shalt  }
0x6b: {  	_ =	shalt  }
0x6c: {  	_ =	shalt  }
0x6d: {  	_ =	shalt  }
0x6e: {  	_ =	shalt  }
0x6f: {  	_ =	shalt  }
0x70: {  	_ =	shalt  }
0x71: {  	_ =	shalt  }
0x72: {  	_ =	shalt  }
0x73: {  	_ =	shalt  }
0x74: {  	_ =	shalt  }
0x75: {  	_ =	shalt  }
0x76: {  	_ =	shalt  }
0x77: {  	_ =	shalt  }
0x78: {  	_ =	shalt  }
0x79: {  	_ =	shalt  }
0x7a: {  	_ =	shalt  }
0x7b: {  	_ =	shalt  }
0x7c: {  	_ =	shalt  }
0x7d: {  	_ =	shalt  }
0x7e: {  	_ =	shalt  }
0x7f: {  	_ =	shalt  }
0x80: {  	_ =	shalt  }
0x81: {  	_ =	shalt  }
0x82: {  	_ =	shalt  }
0x83: {  	_ =	shalt  }
0x84: {  	_ =	shalt  }
0x85: {  	_ =	shalt  }
0x86: {  	_ =	shalt  }
0x87: {  	_ =	shalt  }
.Lfunc_end0:
.L_simem_size_0:
called_computation_lowered:
.L_overlay_start_0:
0x88: {  	s2 =	sld [smem:$0x3FD9]  }
0x89: {  	s3 =	sld [smem:$0x3FFE];
	_ =	sdelay $0x1  }
0x8a: {  	s1 =	srdreg.scid  }
0x8b: {  	s0 =	sand.u32 $0x1, s1  }
0x8c: {  	s17 =	sshll.u32 s0, $0xA;
	s2 =	sadd.s32 s3, s2  }
0x8d: {  	s2 =	sadd.s32 s2, s17  }
0x8e: {  	[smem:$0x3FC5] =	sst s2  }
0x8f: {  	_ = 	snop  }
0x90: {  	s2 =	sld [smem:$0x3FD0];
	(tm) =	ssettm $0x1  }
0x91: {  	s18 =	sld [smem:$0x3FFB];
	_ =	sdelay $0x3  }
0x92: {  	_ =	strace s18  }
0x93: {  	s3 =	sld [smem:$0x3FFC];
	_ =	sdelay $0x3  }
0x94: {  	_ =	strace s3  }
0x95: {  	s3 =	sld [smem:$0x3FFD];
	_ =	sdelay $0x3  }
0x96: {  	_ =	strace s3  }
0x97: {  	_ =	strace $0x8FFFFFFF  }
0x98: {  	s19 =	sld [smem:$0x3FDB];
	_ =	sdelay $0x1  }
0x99: {  	s4 =	simm.s32 $_scs_section_size  }
0x9a: {  	s5 =	simm.s32 $_size__tile_overlayer_lowered;
	s6 =	simm.s32 $_tile_overlayer_lowered  }
0x9b: {  	s22 =	simm.s32 $0x1BFF;
	s21 =	sshll.u32 s6, $0x1;
	s3 =	sadd.s32 s4, s19  }
0x9c: {  	s7 =	simm.s32 $0x0;
	s20 =	sshll.u32 s5, $0x1;
	s5 =	sadd.s32 s21, s3  }
0x9d: {  	[timem:s7], [sflag:s22] =	dma.local [hbm:s5], s20  }
0x9e: {  	_ =	swait.ge [sflag:s22], s20  }
0x9f: {  	s4 =	ssub.s32 $0x0, s20;
	[sflag:s22] =	ssyncset.done $0x0  }
0xa0: {  	[sflag:s22] =	ssyncadd.s32 s4;
	_ =	sdelay $0x1  }
0xa1: {  	s23 =	simm.s32 $0x1B8B  }
0xa2: {  	_ =	swait.ge [sflag:s23], $0x1  }
0xa3: {  	[sflag:s23] =	ssyncset.done $0x0  }
0xa4: {  	s25 =	simm.s32 $0x1B8E;
	s24 =	sld [smem:$0x3FFE];
	[sflag:s23] =	ssyncadd.s32 $0xFFFFFFFF  }
0xa5: {  	s26 =	simm.s32 $execute0_lowered;
	[smem:$0x3FD2] =	sst s25  }
0xa6: {  	s5 =	sshll.u32 s26, $0x1;
	_ =	strace $0x80000046;
	[dreg:$0x1] =	wrdreg $0xFFFFFFFF  }
0xa7: {  	s28 =	simm.s32 $_size_execute0_lowered;
	s3 =	sadd.s32 s3, s5;
	[dreg:$0x0] =	wrdreg $0x0  }
0xa8: {  	s5 =	sshll.u32 s28, $0x1;
	[dreg:$0x2] =	wrdreg s3  }
0xa9: {  	[dreg:$0x3] =	wrdreg s5  }
0xaa: {  	[dreg:$0x4] =	wrdreg $0xC0  }
0xab: {  	_ =	task [dreg:s7], $0x5FFFF  }
0xac: {  	[dreg:$0x1] =	wrdreg $0xFFFFFFFF  }
0xad: {  	[dreg:$0x0] =	wrdreg $0x60  }
0xae: {  	[dreg:$0x2] =	wrdreg s2  }
0xaf: {  	[dreg:$0x3] =	wrdreg s24  }
0xb0: {  	[dreg:$0x4] =	wrdreg $0x0  }
0xb1: {  	[dreg:$0x5] =	wrdreg $0xA0000  }
0xb2: {  	[dreg:$0x6] =	wrdreg $0x9  }
0xb3: {  	_ =	task.clear_ibuf [dreg:s7], $0x7FFFF;
	_ =	strace $0x90000046  }
0xb4: {  	s29 =	simm.s32 $0x9;
	_ =	strace $0x80000048  }
0xb5: {  	_ =	swait.ge [sflag:s29], $0x1  }
0xb6: {  	[sflag:s29] =	ssyncadd.s32 $0xFFFFFFFF  }
0xb7: {  	_ =	strace $0x90000048  }
0xb8: {  	_ =	sfence  }
0xb9: {  	s30 =	sld [smem:$0x0];
	_ =	sdelay $0x2  }
0xba: {  	s31 =	sshll.u32 s1, $0xD;
	s1 =	sshrl.u32 s1, $0x2  }
0xbb: {  	s3 =	sand.u32 $0x4000, s31;
	s1 =	sadd.s32 s1, s30  }
0xbc: {  	s0 =	sor.u32 s3, s0;
	s1 =	sshll.u32 s1, $0x11  }
0xbd: {  	s0 =	sor.u32 s1, s0  }
0xbe: {  	s0 =	sadd.s32 $0x8F2B, s0  }
0xbf: {  	[sflag:s0] =	ssyncadd.remote.s32 $0x1  }
0xc0: {  	_ =	sfence.sel $0xFFFF  }
0xc1: {  	[dreg:$0x0] =	wrdreg $0xFFFFFFFF;
	(pc) =	sbr.abs _section_cstart, $3  }
0xc2: {  	[dreg:$0x1] =	wrdreg $0xFFFFFFFF  }
0xc3: {  	_ =	task.clear_ibuf [dreg:s7], $0x2FFFF;
	_ =	strace $0x9FFFFFFF  }
0xc4: {  	(tm) =	ssettm $0x7FFFFFFF  }
0xc5: {  	_ =	shalt  }
tec
execute0_lowered:
.L_overlay_start_1:
0x0: {  	(tag) =	ssettag $0x1  }
0x1: {  	s1 =	rddreg [dreg:$0x0]  }
0x2: {  	s0 =	srdreg.scid;
	s2 =	rddreg [dreg:$0x1]  }
0x3: {  	s7 =	stileid.u32;
	s3 =	rddreg [dreg:$0x2]  }
0x4: {  	s8 =	simm.s32 $0x0;
	s30 =	simm.s32 $0x18E20;
	s31 =	simm.s32 $0x7  }
0x5: {  	s0 =	sand.u32 $0x1, s0;
	[smem:$0x7FF] =	sst s8;
	s9 =	sadd.s32 $0xE00, s2  }
0x6: {  	s4 =	sshll.u32 s0, $0x4;
	s24 =	smul.u32 $0x280000, s0;
	s0 =	ssub.s32 $0x2, s0  }
0x7: {  	s5 =	sor.u32 s7, s4;
	s4 =	rddreg [dreg:$0x3];
	s7 =	smul.u32 $0x14000, s7  }
0x8: {  	_ =	strace $0x80000047;
	[dreg:$0x5] =	wrdreg s9;
	s6 =	smul.u32 $0x2710, s5  }
0x9: {  	s25 =	sshrl.u32 s0, $0x1;
	s9 =	simm.s32 $0x1B620;
	s5 =	smul.u32 $0x500, s5  }
0xa: {  	s0 =	ssub.s32 s0, s25;
	s8 =	sadd.s32 s7, s24;
	s26 =	sshrl.u32 s7, $0x1  }
0xb: {  	s10 =	sor.u32 $0x2800, s7;
	s29 =	smax.u32 s0, $0x1;
	s0 =	simm.s32 $0x1  }
0xc: {  	s6 =	sshrl.u32 s6, $0x3;
	s8 =	sshrl.u32 s8, $0x4;
	s7 =	sadd.s32 s26, s3  }
0xd: {  	s17 =	sshrl.u32 s10, $0x1;
	s18 =	sadd.s32 $0x2800, s26;
	s11 =	sadd.s32 $0x3C00, s26  }
0xe: {  	s20 =	sadd.s32 $0x5000, s26;
	s21 =	sadd.s32 $0x6400, s26;
	s10 =	sadd.s32 s17, s3  }
0xf: {  	s15 =	sadd.s32 $0x7800, s26;
	s12 =	sadd.s32 s18, s3;
	[dreg:$0x6] =	wrdreg s10  }
0x10: {  	s16 =	sadd.s32 $0x8C00, s26;
	s19 =	sadd.s32 s11, s3;
	[dreg:$0x7] =	wrdreg s12  }
0x11: {  	s6 =	sadd.s32 s6, s2;
	s13 =	sadd.s32 s20, s3;
	[dreg:$0x8] =	wrdreg s19  }
0x12: {  	s8 =	sadd.s32 s8, s2;
	s14 =	sadd.s32 s21, s3;
	[dreg:$0x9] =	wrdreg s13  }
0x13: {  	s2 =	sadd.s32 s5, s2;
	s22 =	sadd.s32 s15, s3;
	[dreg:$0xa] =	wrdreg s14  }
0x14: {  	s5 =	sadd.s32 s17, s4;
	s23 =	sadd.s32 s18, s4;
	[dreg:$0xb] =	wrdreg s22  }
0x15: {  	s24 =	sadd.s32 s11, s4;
	s25 =	sadd.s32 s20, s4;
	[dreg:$0xc] =	wrdreg s5  }
0x16: {  	s20 =	sadd.s32 s15, s4;
	s11 =	simm.s32 $0x3;
	[dreg:$0xd] =	wrdreg s23  }
0x17: {  	s15 =	simm.s32 $0x6;
	s14 =	sadd.s32 s26, s4;
	[dreg:$0xe] =	wrdreg s24  }
0x18: {  	[dreg:$0xf] =	wrdreg s25;
	s26 =	sadd.s32 s21, s4;
	s21 =	sadd.s32 s16, s3  }
0x19: {  	s22 =	sadd.s32 s16, s4;
	s23 =	sadd.s32 $0x1200, s6;
	s24 =	sadd.s32 $0xAE40, s6  }
0x1a: {  	s25 =	sadd.s32 $0x64C00, s2;
	s28 =	sadd.s32 $0x28C00, s8;
	s2 =	simm.s32 $0x14000  }
0x1b: {  	s5 =	simm.s32 $0x2;
	s6 =	simm.s32 $0x50;
	s10 =	simm.s32 $0x1CA20  }
0x1c: {  	s12 =	simm.s32 $0x4;
	s13 =	simm.s32 $0x5;
	s16 =	simm.s32 $0x0  }
0x1d: {  	v0 =	vimm.f32 $0.0e+00;
	v1 =	vimm.f32 $1.000000000e+00;
	[dreg:$0x10] =	wrdreg s26;
	s26 =	sadd.s32 $0x14C00, s8;
	s8 =	simm.s32 $0x1A220  }
.LBB2_1:
0x1e: {  	s17 =	simm.s32 $0x40;
	s18 =	simm.s32 $0x0  }
.LBB2_2:
0x1f: {  	p0 =	sne.s32 s17, $0x9FC0;
	[tilespmem:s18+$0x1CA20] =	vst v0;
	s18 =	smov.u32 s17;
	s17 =	sadd.s32 $0x40, s17  }
.Ltmp0:
0x20: {  	(pc) =	sbr.rel @p0 .LBB2_2-.Ltmp0, $2  }
0x21: {  	_ =	sdelay $0x2  }
0x22: {  	s18 =	sshra.s32 s18, $0x2  }
0x23: {  	[tilespmem:s18+$0x1CA20] =	vst v0;
	s17 =	simm.s32 $0x0;
	s19 =	rddreg [dreg:$0x5]  }
0x24: {  	[tilespmem:s30], [sflag:$0x7] =	stream.linear.gather [hbm4b:s19+s17], $0x1400, $0x38;
	[tilespmem:$0x1F220] =	vst v63  }
0x25: {  	_ =	swait.ge [sflag:s31], $0x1400  }
0x26: {  	[sflag:s31] =	ssyncset.done $0x0  }
0x27: {  	[sflag:s31] =	ssyncadd.s32 $0xFFFFEC00  }
0x28: {  	[spmem:s7] =	stream.linear.scatter [tilespmem:s30], [sflag:$0x7], $0x1400, $0x38;
	[tilespmem:$0x1F220] =	vst v63  }
0x29: {  	_ =	swait.ge [sflag:s31], $0x1400  }
0x2a: {  	[sflag:s31] =	ssyncset.done $0x0  }
0x2b: {  	s19 =	rddreg [dreg:$0x6];
	[sflag:s31] =	ssyncadd.s32 $0xFFFFEC00  }
0x2c: {  	[spmem:s19] =	stream.linear.scatter [tilespmem:s30], [sflag:$0x7], $0x1400, $0x38;
	[tilespmem:$0x1F220] =	vst v63  }
0x2d: {  	_ =	swait.ge [sflag:s31], $0x1400  }
0x2e: {  	[sflag:s31] =	ssyncset.done $0x0  }
0x2f: {  	s19 =	rddreg [dreg:$0x7];
	[sflag:s31] =	ssyncadd.s32 $0xFFFFEC00  }
0x30: {  	[spmem:s19] =	stream.linear.scatter [tilespmem:s30], [sflag:$0x7], $0x1400, $0x38;
	[tilespmem:$0x1F220] =	vst v63  }
0x31: {  	_ =	swait.ge [sflag:s31], $0x1400  }
0x32: {  	[sflag:s31] =	ssyncset.done $0x0  }
0x33: {  	s19 =	rddreg [dreg:$0x8];
	[sflag:s31] =	ssyncadd.s32 $0xFFFFEC00  }
0x34: {  	[spmem:s19] =	stream.linear.scatter [tilespmem:s30], [sflag:$0x7], $0x1400, $0x38;
	[tilespmem:$0x1F220] =	vst v63  }
0x35: {  	_ =	swait.ge [sflag:s31], $0x1400  }
0x36: {  	[sflag:s31] =	ssyncset.done $0x0  }
0x37: {  	s19 =	rddreg [dreg:$0x9];
	[sflag:s31] =	ssyncadd.s32 $0xFFFFEC00  }
0x38: {  	[spmem:s19] =	stream.linear.scatter [tilespmem:s30], [sflag:$0x7], $0x1400, $0x38;
	[tilespmem:$0x1F220] =	vst v63  }
0x39: {  	_ =	swait.ge [sflag:s31], $0x1400  }
0x3a: {  	[sflag:s31] =	ssyncset.done $0x0  }
0x3b: {  	s19 =	rddreg [dreg:$0xa];
	[sflag:s31] =	ssyncadd.s32 $0xFFFFEC00  }
0x3c: {  	[spmem:s19] =	stream.linear.scatter [tilespmem:s30], [sflag:$0x7], $0x1400, $0x38;
	[tilespmem:$0x1F220] =	vst v63  }
0x3d: {  	_ =	swait.ge [sflag:s31], $0x1400  }
0x3e: {  	[sflag:s31] =	ssyncset.done $0x0  }
0x3f: {  	s19 =	rddreg [dreg:$0xb];
	[sflag:s31] =	ssyncadd.s32 $0xFFFFEC00  }
0x40: {  	[spmem:s19] =	stream.linear.scatter [tilespmem:s30], [sflag:$0x7], $0x1400, $0x38;
	[tilespmem:$0x1F220] =	vst v63  }
0x41: {  	_ =	swait.ge [sflag:s31], $0x1400  }
0x42: {  	[sflag:s31] =	ssyncset.done $0x0  }
0x43: {  	[sflag:s31] =	ssyncadd.s32 $0xFFFFEC00  }
0x44: {  	[spmem:s21] =	stream.linear.scatter [tilespmem:s30], [sflag:$0x7], $0x1400, $0x38;
	[tilespmem:$0x1F220] =	vst v63  }
0x45: {  	_ =	swait.ge [sflag:s31], $0x1400  }
0x46: {  	[sflag:s31] =	ssyncset.done $0x0  }
0x47: {  	[sflag:s31] =	ssyncadd.s32 $0xFFFFEC00  }
0x48: {  	[spmem:s14] =	stream.linear.scatter [tilespmem:s30], [sflag:$0x7], $0x1400, $0x38;
	[tilespmem:$0x1F220] =	vst v63  }
0x49: {  	_ =	swait.ge [sflag:s31], $0x1400  }
0x4a: {  	[sflag:s31] =	ssyncset.done $0x0  }
0x4b: {  	s19 =	rddreg [dreg:$0xc];
	[sflag:s31] =	ssyncadd.s32 $0xFFFFEC00  }
0x4c: {  	[spmem:s19] =	stream.linear.scatter [tilespmem:s30], [sflag:$0x7], $0x1400, $0x38;
	[tilespmem:$0x1F220] =	vst v63  }
0x4d: {  	_ =	swait.ge [sflag:s31], $0x1400  }
0x4e: {  	[sflag:s31] =	ssyncset.done $0x0  }
0x4f: {  	s19 =	rddreg [dreg:$0xd];
	[sflag:s31] =	ssyncadd.s32 $0xFFFFEC00  }
0x50: {  	[spmem:s19] =	stream.linear.scatter [tilespmem:s30], [sflag:$0x7], $0x1400, $0x38;
	[tilespmem:$0x1F220] =	vst v63  }
0x51: {  	_ =	swait.ge [sflag:s31], $0x1400  }
0x52: {  	[sflag:s31] =	ssyncset.done $0x0  }
0x53: {  	s19 =	rddreg [dreg:$0xe];
	[sflag:s31] =	ssyncadd.s32 $0xFFFFEC00  }
0x54: {  	[spmem:s19] =	stream.linear.scatter [tilespmem:s30], [sflag:$0x7], $0x1400, $0x38;
	[tilespmem:$0x1F220] =	vst v63  }
0x55: {  	_ =	swait.ge [sflag:s31], $0x1400  }
0x56: {  	[sflag:s31] =	ssyncset.done $0x0  }
0x57: {  	s19 =	rddreg [dreg:$0xf];
	[sflag:s31] =	ssyncadd.s32 $0xFFFFEC00  }
0x58: {  	[spmem:s19] =	stream.linear.scatter [tilespmem:s30], [sflag:$0x7], $0x1400, $0x38;
	[tilespmem:$0x1F220] =	vst v63  }
0x59: {  	_ =	swait.ge [sflag:s31], $0x1400  }
0x5a: {  	[sflag:s31] =	ssyncset.done $0x0  }
0x5b: {  	s19 =	rddreg [dreg:$0x10];
	[sflag:s31] =	ssyncadd.s32 $0xFFFFEC00  }
0x5c: {  	[spmem:s19] =	stream.linear.scatter [tilespmem:s30], [sflag:$0x7], $0x1400, $0x38;
	[tilespmem:$0x1F220] =	vst v63  }
0x5d: {  	_ =	swait.ge [sflag:s31], $0x1400  }
0x5e: {  	[sflag:s31] =	ssyncset.done $0x0  }
0x5f: {  	[sflag:s31] =	ssyncadd.s32 $0xFFFFEC00  }
0x60: {  	[spmem:s20] =	stream.linear.scatter [tilespmem:s30], [sflag:$0x7], $0x1400, $0x38;
	[tilespmem:$0x1F220] =	vst v63  }
0x61: {  	_ =	swait.ge [sflag:s31], $0x1400  }
0x62: {  	[sflag:s31] =	ssyncset.done $0x0  }
0x63: {  	[sflag:s31] =	ssyncadd.s32 $0xFFFFEC00  }
0x64: {  	[spmem:s22] =	stream.linear.scatter [tilespmem:s30], [sflag:$0x7], $0x1400, $0x38;
	[tilespmem:$0x1F220] =	vst v63  }
0x65: {  	_ =	swait.ge [sflag:s31], $0x1400  }
0x66: {  	[sflag:s31] =	ssyncset.done $0x0  }
0x67: {  	[sflag:s31] =	ssyncadd.s32 $0xFFFFEC00  }
0x68: {  	[bflag:$0x0] =	sbarrier.arrive $0xFFFF  }
0x69: {  	[tilespmem:s2], [sflag:$0x1] =	stream.linear.gather [hbm4b:s23+s17], $0x2710, $0x38;
	[tilespmem:$0x1F220] =	vst v63  }
0x6a: {  	s19 =	simm.s32 $0x16710  }
0x6b: {  	[tilespmem:s19], [sflag:$0x2] =	stream.linear.gather [hbm4b:s24+s17], $0x2710, $0x38;
	[tilespmem:$0x1F220] =	vst v63  }
0x6c: {  	_ =	swait.ge [sflag:s0], $0x2710  }
0x6d: {  	[sflag:s0] =	ssyncset.done $0x0  }
0x6e: {  	[sflag:s0] =	ssyncadd.s32 $0xFFFFD8F0  }
0x6f: {  	_ =	swait.ge [sflag:s5], $0x2710  }
0x70: {  	[sflag:s5] =	ssyncset.done $0x0  }
0x71: {  	[sflag:s5] =	ssyncadd.s32 $0xFFFFD8F0  }
0x72: {  	[tilespmem:s30], [sflag:$0x1] =	stream.indirect.gather [hbm4b:s1+s6], $0x40, s2, s6, $0xb8;
	[tilespmem:$0x1F220] =	vst v63  }
0x73: {  	s19 =	simm.s32 $0x14050  }
0x74: {  	[tilespmem:s8], [sflag:$0x2] =	stream.indirect.gather [hbm4b:s1+s6], $0x40, s19, s6, $0xb8;
	[tilespmem:$0x1F220] =	vst v63  }
0x75: {  	s19 =	simm.s32 $0x140A0  }
0x76: {  	[tilespmem:s9], [sflag:$0x3] =	stream.indirect.gather [hbm4b:s1+s6], $0x40, s19, s6, $0xb8;
	[tilespmem:$0x1F220] =	vst v63  }
.LBB2_4:
0x77: {  	_ =	swait.ge [sflag:s0], $0x1400  }
0x78: {  	s18 =	sshra.s32 s17, $0x2;
	[sflag:s0] =	ssyncset.done $0x0  }
0x79: {  	s19 =	sadd.s32 $0x16710, s18;
	[sflag:s0] =	ssyncadd.s32 $0xFFFFEC00  }
0x7a: {  	[spmem:s3] =	stream.indirect.scatter.add.bf16 [tilespmem:s30], [sflag:$0x4], $0x40, s19, s6, $0xb8;
	[tilespmem:$0x1F220] =	vst v63  }
0x7b: {  	v2 =	vld [tilespmem:s18+$0x16710];
	_ =	sdelay $0x7  }
0x7c: {  	[tilespmem:v2+s10+$0x0] =	vst.idx.add.f32.msk $0xffff, v1  }
0x7d: {  	v2 =	vld [tilespmem:s18+$0x16720];
	_ =	sdelay $0x7  }
0x7e: {  	[tilespmem:v2+s10+$0x0] =	vst.idx.add.f32.msk $0xffff, v1  }
0x7f: {  	v2 =	vld [tilespmem:s18+$0x16730];
	_ =	sdelay $0x7  }
0x80: {  	[tilespmem:v2+s10+$0x0] =	vst.idx.add.f32.msk $0xffff, v1  }
0x81: {  	v2 =	vld [tilespmem:s18+$0x16740];
	_ =	sdelay $0x7  }
0x82: {  	[tilespmem:v2+s10+$0x0] =	vst.idx.add.f32.msk $0xffff, v1  }
0x83: {  	v2 =	vld [tilespmem:s18+$0x16750];
	_ =	sdelay $0x7  }
0x84: {  	[tilespmem:v2+s10+$0x0] =	vst.idx.add.f32.msk $0xffff, v1  }
0x85: {  	_ =	swait.ge [sflag:s5], $0x1400  }
0x86: {  	[sflag:s5] =	ssyncset.done $0x0  }
0x87: {  	s19 =	sadd.s32 $0x16760, s18;
	[sflag:s5] =	ssyncadd.s32 $0xFFFFEC00  }
0x88: {  	[spmem:s4] =	stream.indirect.scatter.add.bf16 [tilespmem:s8], [sflag:$0x5], $0x40, s19, s6, $0xb8;
	[tilespmem:$0x1F220] =	vst v63  }
0x89: {  	v2 =	vld [tilespmem:s18+$0x16760];
	_ =	sdelay $0x7  }
0x8a: {  	[tilespmem:v2+s10+$0x0] =	vst.idx.add.f32.msk $0xffff, v1  }
0x8b: {  	v2 =	vld [tilespmem:s18+$0x16770];
	_ =	sdelay $0x7  }
0x8c: {  	[tilespmem:v2+s10+$0x0] =	vst.idx.add.f32.msk $0xffff, v1  }
0x8d: {  	v2 =	vld [tilespmem:s18+$0x16780];
	_ =	sdelay $0x7  }
0x8e: {  	[tilespmem:v2+s10+$0x0] =	vst.idx.add.f32.msk $0xffff, v1  }
0x8f: {  	v2 =	vld [tilespmem:s18+$0x16790];
	_ =	sdelay $0x7  }
0x90: {  	[tilespmem:v2+s10+$0x0] =	vst.idx.add.f32.msk $0xffff, v1  }
0x91: {  	v2 =	vld [tilespmem:s18+$0x167A0];
	_ =	sdelay $0x7  }
0x92: {  	[tilespmem:v2+s10+$0x0] =	vst.idx.add.f32.msk $0xffff, v1  }
0x93: {  	_ =	swait.ge [sflag:s11], $0x1400  }
0x94: {  	[sflag:s11] =	ssyncset.done $0x0  }
0x95: {  	s19 =	sadd.s32 $0x167B0, s18;
	[sflag:s11] =	ssyncadd.s32 $0xFFFFEC00  }
0x96: {  	[spmem:s3] =	stream.indirect.scatter.add.bf16 [tilespmem:s9], [sflag:$0x6], $0x40, s19, s6, $0xb8;
	[tilespmem:$0x1F220] =	vst v63  }
0x97: {  	v2 =	vld [tilespmem:s18+$0x167B0];
	_ =	sdelay $0x7  }
0x98: {  	[tilespmem:v2+s10+$0x0] =	vst.idx.add.f32.msk $0xffff, v1  }
0x99: {  	v2 =	vld [tilespmem:s18+$0x167C0];
	_ =	sdelay $0x7  }
0x9a: {  	[tilespmem:v2+s10+$0x0] =	vst.idx.add.f32.msk $0xffff, v1  }
0x9b: {  	v2 =	vld [tilespmem:s18+$0x167D0];
	_ =	sdelay $0x7  }
0x9c: {  	[tilespmem:v2+s10+$0x0] =	vst.idx.add.f32.msk $0xffff, v1  }
0x9d: {  	v2 =	vld [tilespmem:s18+$0x167E0];
	_ =	sdelay $0x7  }
0x9e: {  	[tilespmem:v2+s10+$0x0] =	vst.idx.add.f32.msk $0xffff, v1  }
0x9f: {  	v2 =	vld [tilespmem:s18+$0x167F0];
	_ =	sdelay $0x7  }
0xa0: {  	[tilespmem:v2+s10+$0x0] =	vst.idx.add.f32.msk $0xffff, v1  }
0xa1: {  	_ =	swait.ge [sflag:s12], $0x1400  }
0xa2: {  	[sflag:s12] =	ssyncset.done $0x0  }
0xa3: {  	s19 =	sadd.s32 $0x140F0, s18;
	[sflag:s12] =	ssyncadd.s32 $0xFFFFEC00  }
0xa4: {  	[tilespmem:s30], [sflag:$0x1] =	stream.indirect.gather [hbm4b:s1+s6], $0x40, s19, s6, $0xb8;
	[tilespmem:$0x1F220] =	vst v63  }
0xa5: {  	_ =	swait.ge [sflag:s13], $0x1400  }
0xa6: {  	[sflag:s13] =	ssyncset.done $0x0  }
0xa7: {  	s19 =	sadd.s32 $0x14140, s18;
	[sflag:s13] =	ssyncadd.s32 $0xFFFFEC00  }
0xa8: {  	[tilespmem:s8], [sflag:$0x2] =	stream.indirect.gather [hbm4b:s1+s6], $0x40, s19, s6, $0xb8;
	[tilespmem:$0x1F220] =	vst v63  }
0xa9: {  	_ =	swait.ge [sflag:s15], $0x1400  }
0xaa: {  	[sflag:s15] =	ssyncset.done $0x0  }
0xab: {  	s19 =	sadd.s32 $0x14190, s18;
	[sflag:s15] =	ssyncadd.s32 $0xFFFFEC00  }
0xac: {  	[tilespmem:s9], [sflag:$0x3] =	stream.indirect.gather [hbm4b:s1+s6], $0x40, s19, s6, $0xb8;
	[tilespmem:$0x1F220] =	vst v63  }
0xad: {  	_ =	swait.ge [sflag:s0], $0x1400  }
0xae: {  	[sflag:s0] =	ssyncset.done $0x0  }
0xaf: {  	s19 =	sadd.s32 $0x16800, s18;
	[sflag:s0] =	ssyncadd.s32 $0xFFFFEC00  }
0xb0: {  	[spmem:s4] =	stream.indirect.scatter.add.bf16 [tilespmem:s30], [sflag:$0x4], $0x40, s19, s6, $0xb8;
	[tilespmem:$0x1F220] =	vst v63  }
0xb1: {  	v2 =	vld [tilespmem:s18+$0x16800];
	_ =	sdelay $0x7  }
0xb2: {  	[tilespmem:v2+s10+$0x0] =	vst.idx.add.f32.msk $0xffff, v1  }
0xb3: {  	v2 =	vld [tilespmem:s18+$0x16810];
	_ =	sdelay $0x7  }
0xb4: {  	[tilespmem:v2+s10+$0x0] =	vst.idx.add.f32.msk $0xffff, v1  }
0xb5: {  	v2 =	vld [tilespmem:s18+$0x16820];
	_ =	sdelay $0x7  }
0xb6: {  	[tilespmem:v2+s10+$0x0] =	vst.idx.add.f32.msk $0xffff, v1  }
0xb7: {  	v2 =	vld [tilespmem:s18+$0x16830];
	_ =	sdelay $0x7  }
0xb8: {  	[tilespmem:v2+s10+$0x0] =	vst.idx.add.f32.msk $0xffff, v1  }
0xb9: {  	v2 =	vld [tilespmem:s18+$0x16840];
	_ =	sdelay $0x7  }
0xba: {  	[tilespmem:v2+s10+$0x0] =	vst.idx.add.f32.msk $0xffff, v1  }
0xbb: {  	_ =	swait.ge [sflag:s5], $0x1400  }
0xbc: {  	[sflag:s5] =	ssyncset.done $0x0  }
0xbd: {  	s19 =	sadd.s32 $0x16850, s18;
	[sflag:s5] =	ssyncadd.s32 $0xFFFFEC00  }
0xbe: {  	[spmem:s3] =	stream.indirect.scatter.add.bf16 [tilespmem:s8], [sflag:$0x5], $0x40, s19, s6, $0xb8;
	[tilespmem:$0x1F220] =	vst v63  }
0xbf: {  	v2 =	vld [tilespmem:s18+$0x16850];
	_ =	sdelay $0x7  }
0xc0: {  	[tilespmem:v2+s10+$0x0] =	vst.idx.add.f32.msk $0xffff, v1  }
0xc1: {  	v2 =	vld [tilespmem:s18+$0x16860];
	_ =	sdelay $0x7  }
0xc2: {  	[tilespmem:v2+s10+$0x0] =	vst.idx.add.f32.msk $0xffff, v1  }
0xc3: {  	v2 =	vld [tilespmem:s18+$0x16870];
	_ =	sdelay $0x7  }
0xc4: {  	[tilespmem:v2+s10+$0x0] =	vst.idx.add.f32.msk $0xffff, v1  }
0xc5: {  	v2 =	vld [tilespmem:s18+$0x16880];
	_ =	sdelay $0x7  }
0xc6: {  	[tilespmem:v2+s10+$0x0] =	vst.idx.add.f32.msk $0xffff, v1  }
0xc7: {  	v2 =	vld [tilespmem:s18+$0x16890];
	_ =	sdelay $0x7  }
0xc8: {  	[tilespmem:v2+s10+$0x0] =	vst.idx.add.f32.msk $0xffff, v1  }
0xc9: {  	_ =	swait.ge [sflag:s11], $0x1400  }
0xca: {  	[sflag:s11] =	ssyncset.done $0x0  }
0xcb: {  	s19 =	sadd.s32 $0x168A0, s18;
	[sflag:s11] =	ssyncadd.s32 $0xFFFFEC00  }
0xcc: {  	[spmem:s4] =	stream.indirect.scatter.add.bf16 [tilespmem:s9], [sflag:$0x6], $0x40, s19, s6, $0xb8;
	[tilespmem:$0x1F220] =	vst v63  }
0xcd: {  	v2 =	vld [tilespmem:s18+$0x168A0];
	_ =	sdelay $0x7  }
0xce: {  	[tilespmem:v2+s10+$0x0] =	vst.idx.add.f32.msk $0xffff, v1  }
0xcf: {  	v2 =	vld [tilespmem:s18+$0x168B0];
	_ =	sdelay $0x7  }
0xd0: {  	[tilespmem:v2+s10+$0x0] =	vst.idx.add.f32.msk $0xffff, v1  }
0xd1: {  	v2 =	vld [tilespmem:s18+$0x168C0];
	_ =	sdelay $0x7  }
0xd2: {  	[tilespmem:v2+s10+$0x0] =	vst.idx.add.f32.msk $0xffff, v1  }
0xd3: {  	v2 =	vld [tilespmem:s18+$0x168D0];
	_ =	sdelay $0x7  }
0xd4: {  	[tilespmem:v2+s10+$0x0] =	vst.idx.add.f32.msk $0xffff, v1  }
0xd5: {  	v2 =	vld [tilespmem:s18+$0x168E0];
	_ =	sdelay $0x7  }
0xd6: {  	[tilespmem:v2+s10+$0x0] =	vst.idx.add.f32.msk $0xffff, v1  }
0xd7: {  	_ =	swait.ge [sflag:s12], $0x1400  }
0xd8: {  	[sflag:s12] =	ssyncset.done $0x0  }
0xd9: {  	s19 =	sadd.s32 $0x141E0, s18;
	[sflag:s12] =	ssyncadd.s32 $0xFFFFEC00  }
0xda: {  	[tilespmem:s30], [sflag:$0x1] =	stream.indirect.gather [hbm4b:s1+s6], $0x40, s19, s6, $0xb8;
	[tilespmem:$0x1F220] =	vst v63  }
0xdb: {  	_ =	swait.ge [sflag:s13], $0x1400  }
0xdc: {  	[sflag:s13] =	ssyncset.done $0x0  }
0xdd: {  	p0 =	sne.s32 s17, $0x8E80;
	s19 =	sadd.s32 $0x14230, s18;
	[sflag:s13] =	ssyncadd.s32 $0xFFFFEC00  }
0xde: {  	[tilespmem:s8], [sflag:$0x2] =	stream.indirect.gather [hbm4b:s1+s6], $0x40, s19, s6, $0xb8;
	[tilespmem:$0x1F220] =	vst v63  }
.Ltmp1:
0xdf: {  	_ = 	snop;
	(pc) =	sbr.rel @p0 .LBB2_4-.Ltmp1, $4  }
0xe0: {  	_ =	swait.ge [sflag:s15], $0x1400  }
0xe1: {  	[sflag:s15] =	ssyncset.done $0x0  }
0xe2: {  	s17 =	sadd.s32 $0x780, s17;
	s18 =	sadd.s32 $0x14280, s18;
	[sflag:s15] =	ssyncadd.s32 $0xFFFFEC00  }
0xe3: {  	[tilespmem:s9], [sflag:$0x3] =	stream.indirect.gather [hbm4b:s1+s6], $0x40, s18, s6, $0xb8;
	[tilespmem:$0x1F220] =	vst v63  }
0xe4: {  	_ =	swait.ge [sflag:s0], $0x1400  }
0xe5: {  	[sflag:s0] =	ssyncset.done $0x0  }
0xe6: {  	s17 =	simm.s32 $0x18C90;
	[sflag:s0] =	ssyncadd.s32 $0xFFFFEC00  }
0xe7: {  	[spmem:s3] =	stream.indirect.scatter.add.bf16 [tilespmem:s30], [sflag:$0x4], $0x40, s17, s6, $0xb8;
	[tilespmem:$0x1F220] =	vst v63  }
0xe8: {  	v2 =	vld [tilespmem:$0x18C90];
	_ =	sdelay $0x7  }
0xe9: {  	[tilespmem:v2+s10+$0x0] =	vst.idx.add.f32.msk $0xffff, v1  }
0xea: {  	v2 =	vld [tilespmem:$0x18CA0];
	_ =	sdelay $0x7  }
0xeb: {  	[tilespmem:v2+s10+$0x0] =	vst.idx.add.f32.msk $0xffff, v1  }
0xec: {  	v2 =	vld [tilespmem:$0x18CB0];
	_ =	sdelay $0x7  }
0xed: {  	[tilespmem:v2+s10+$0x0] =	vst.idx.add.f32.msk $0xffff, v1  }
0xee: {  	v2 =	vld [tilespmem:$0x18CC0];
	_ =	sdelay $0x7  }
0xef: {  	[tilespmem:v2+s10+$0x0] =	vst.idx.add.f32.msk $0xffff, v1  }
0xf0: {  	v2 =	vld [tilespmem:$0x18CD0];
	_ =	sdelay $0x7  }
0xf1: {  	[tilespmem:v2+s10+$0x0] =	vst.idx.add.f32.msk $0xffff, v1  }
0xf2: {  	_ =	swait.ge [sflag:s5], $0x1400  }
0xf3: {  	[sflag:s5] =	ssyncset.done $0x0  }
0xf4: {  	s19 =	simm.s32 $0x18CE0;
	[sflag:s5] =	ssyncadd.s32 $0xFFFFEC00  }
0xf5: {  	[spmem:s4] =	stream.indirect.scatter.add.bf16 [tilespmem:s8], [sflag:$0x5], $0x40, s19, s6, $0xb8;
	[tilespmem:$0x1F220] =	vst v63  }
0xf6: {  	v2 =	vld [tilespmem:$0x18CE0];
	_ =	sdelay $0x7  }
0xf7: {  	[tilespmem:v2+s10+$0x0] =	vst.idx.add.f32.msk $0xffff, v1  }
0xf8: {  	v2 =	vld [tilespmem:$0x18CF0];
	_ =	sdelay $0x7  }
0xf9: {  	[tilespmem:v2+s10+$0x0] =	vst.idx.add.f32.msk $0xffff, v1  }
0xfa: {  	v2 =	vld [tilespmem:$0x18D00];
	_ =	sdelay $0x7  }
0xfb: {  	[tilespmem:v2+s10+$0x0] =	vst.idx.add.f32.msk $0xffff, v1  }
0xfc: {  	v2 =	vld [tilespmem:$0x18D10];
	_ =	sdelay $0x7  }
0xfd: {  	[tilespmem:v2+s10+$0x0] =	vst.idx.add.f32.msk $0xffff, v1  }
0xfe: {  	v2 =	vld [tilespmem:$0x18D20];
	_ =	sdelay $0x7  }
0xff: {  	[tilespmem:v2+s10+$0x0] =	vst.idx.add.f32.msk $0xffff, v1  }
0x100: {  	_ =	swait.ge [sflag:s11], $0x1400  }
0x101: {  	[sflag:s11] =	ssyncset.done $0x0  }
0x102: {  	s18 =	simm.s32 $0x18D30;
	[sflag:s11] =	ssyncadd.s32 $0xFFFFEC00  }
0x103: {  	[spmem:s3] =	stream.indirect.scatter.add.bf16 [tilespmem:s9], [sflag:$0x6], $0x40, s18, s6, $0xb8;
	[tilespmem:$0x1F220] =	vst v63  }
0x104: {  	v2 =	vld [tilespmem:$0x18D30];
	_ =	sdelay $0x7  }
0x105: {  	[tilespmem:v2+s10+$0x0] =	vst.idx.add.f32.msk $0xffff, v1  }
0x106: {  	v2 =	vld [tilespmem:$0x18D40];
	_ =	sdelay $0x7  }
0x107: {  	[tilespmem:v2+s10+$0x0] =	vst.idx.add.f32.msk $0xffff, v1  }
0x108: {  	v2 =	vld [tilespmem:$0x18D50];
	_ =	sdelay $0x7  }
0x109: {  	[tilespmem:v2+s10+$0x0] =	vst.idx.add.f32.msk $0xffff, v1  }
0x10a: {  	v2 =	vld [tilespmem:$0x18D60];
	_ =	sdelay $0x7  }
0x10b: {  	[tilespmem:v2+s10+$0x0] =	vst.idx.add.f32.msk $0xffff, v1  }
0x10c: {  	v2 =	vld [tilespmem:$0x18D70];
	_ =	sdelay $0x7  }
0x10d: {  	[tilespmem:v2+s10+$0x0] =	vst.idx.add.f32.msk $0xffff, v1  }
0x10e: {  	_ =	swait.ge [sflag:s12], $0x1400  }
0x10f: {  	[sflag:s12] =	ssyncset.done $0x0  }
0x110: {  	s19 =	simm.s32 $0x16670;
	[sflag:s12] =	ssyncadd.s32 $0xFFFFEC00  }
0x111: {  	[tilespmem:s30], [sflag:$0x1] =	stream.indirect.gather [hbm4b:s1+s6], $0x40, s19, s6, $0xb8;
	[tilespmem:$0x1F220] =	vst v63  }
0x112: {  	_ =	swait.ge [sflag:s0], $0x1400  }
0x113: {  	[sflag:s0] =	ssyncset.done $0x0  }
0x114: {  	s18 =	simm.s32 $0x18D80;
	[sflag:s0] =	ssyncadd.s32 $0xFFFFEC00  }
0x115: {  	[spmem:s4] =	stream.indirect.scatter.add.bf16 [tilespmem:s30], [sflag:$0x4], $0x40, s18, s6, $0xb8;
	[tilespmem:$0x1F220] =	vst v63  }
0x116: {  	v2 =	vld [tilespmem:$0x18D80];
	_ =	sdelay $0x7  }
0x117: {  	[tilespmem:v2+s10+$0x0] =	vst.idx.add.f32.msk $0xffff, v1  }
0x118: {  	v2 =	vld [tilespmem:$0x18D90];
	_ =	sdelay $0x7  }
0x119: {  	[tilespmem:v2+s10+$0x0] =	vst.idx.add.f32.msk $0xffff, v1  }
0x11a: {  	v2 =	vld [tilespmem:$0x18DA0];
	_ =	sdelay $0x7  }
0x11b: {  	[tilespmem:v2+s10+$0x0] =	vst.idx.add.f32.msk $0xffff, v1  }
0x11c: {  	v2 =	vld [tilespmem:$0x18DB0];
	_ =	sdelay $0x7  }
0x11d: {  	[tilespmem:v2+s10+$0x0] =	vst.idx.add.f32.msk $0xffff, v1  }
0x11e: {  	v2 =	vld [tilespmem:$0x18DC0];
	_ =	sdelay $0x7  }
0x11f: {  	[tilespmem:v2+s10+$0x0] =	vst.idx.add.f32.msk $0xffff, v1  }
0x120: {  	_ =	swait.ge [sflag:s13], $0x1400  }
0x121: {  	[sflag:s13] =	ssyncset.done $0x0  }
0x122: {  	s19 =	simm.s32 $0x166C0;
	[sflag:s13] =	ssyncadd.s32 $0xFFFFEC00  }
0x123: {  	[tilespmem:s8], [sflag:$0x2] =	stream.indirect.gather [hbm4b:s1+s6], $0x40, s19, s6, $0xb8;
	[tilespmem:$0x1F220] =	vst v63  }
0x124: {  	_ =	swait.ge [sflag:s5], $0x1400  }
0x125: {  	[sflag:s5] =	ssyncset.done $0x0  }
0x126: {  	s18 =	simm.s32 $0x18DD0;
	[sflag:s5] =	ssyncadd.s32 $0xFFFFEC00  }
0x127: {  	[spmem:s3] =	stream.indirect.scatter.add.bf16 [tilespmem:s8], [sflag:$0x5], $0x40, s18, s6, $0xb8;
	[tilespmem:$0x1F220] =	vst v63  }
0x128: {  	v2 =	vld [tilespmem:$0x18DD0];
	_ =	sdelay $0x7  }
0x129: {  	[tilespmem:v2+s10+$0x0] =	vst.idx.add.f32.msk $0xffff, v1  }
0x12a: {  	v2 =	vld [tilespmem:$0x18DE0];
	_ =	sdelay $0x7  }
0x12b: {  	[tilespmem:v2+s10+$0x0] =	vst.idx.add.f32.msk $0xffff, v1  }
0x12c: {  	v2 =	vld [tilespmem:$0x18DF0];
	_ =	sdelay $0x7  }
0x12d: {  	[tilespmem:v2+s10+$0x0] =	vst.idx.add.f32.msk $0xffff, v1  }
0x12e: {  	v2 =	vld [tilespmem:$0x18E00];
	_ =	sdelay $0x7  }
0x12f: {  	[tilespmem:v2+s10+$0x0] =	vst.idx.add.f32.msk $0xffff, v1  }
0x130: {  	v2 =	vld [tilespmem:$0x18E10];
	_ =	sdelay $0x7  }
0x131: {  	[tilespmem:v2+s10+$0x0] =	vst.idx.add.f32.msk $0xffff, v1  }
0x132: {  	_ =	swait.ge [sflag:s15], $0x1400  }
0x133: {  	[sflag:s15] =	ssyncset.done $0x0  }
0x134: {  	[sflag:s15] =	ssyncadd.s32 $0xFFFFEC00  }
0x135: {  	_ =	swait.ge [sflag:s12], $0x1400  }
0x136: {  	[sflag:s12] =	ssyncset.done $0x0  }
0x137: {  	[sflag:s12] =	ssyncadd.s32 $0xFFFFEC00  }
0x138: {  	_ =	swait.ge [sflag:s13], $0x1400  }
0x139: {  	[sflag:s13] =	ssyncset.done $0x0  }
0x13a: {  	s19 =	simm.s32 $0x0;
	[sflag:s13] =	ssyncadd.s32 $0xFFFFEC00  }
0x13b: {  	[hbm4b:s25+s19] =	stream.linear.scatter [tilespmem:s10], [sflag:$0x7], $0x2800, $0x38;
	[tilespmem:$0x1F220] =	vst v63  }
0x13c: {  	_ =	swait.ge [sflag:s31], $0x2800  }
0x13d: {  	s18 =	stileid.u32;
	[sflag:s31] =	ssyncset.done $0x0  }
0x13e: {  	s17 =	sshll.u32 s18, $0x6;
	[sflag:s31] =	ssyncadd.s32 $0xFFFFD800  }
0x13f: {  	s18 =	sshrl.u32 s7, $0x3;
	s17 =	sor.u32 $0x1C07, s17;
	[bflag:$0x0] =	sbarrier.arrive $0xFFFF  }
0x140: {  	[hbm:s26], [sflag:s17] =	dma.local [spmem:s18], $0x1400  }
0x141: {  	s16 =	sadd.s32 $0x1, s16;
	_ =	swait.ge [sflag:s31], $0x1400  }
0x142: {  	p0 =	sne.s32 s16, s29;
	[sflag:s31] =	ssyncset.done $0x0  }
.Ltmp2:
0x143: {  	s19 =	sshrl.u32 s14, $0x3;
	[sflag:s31] =	ssyncadd.s32 $0xFFFFEC00;
	(pc) =	sbr.rel @p0 .LBB2_1-.Ltmp2, $4  }
0x144: {  	[hbm:s28], [sflag:s17] =	dma.local [spmem:s19], $0x1400  }
0x145: {  	_ =	swait.ge [sflag:s31], $0x1400  }
0x146: {  	[sflag:s31] =	ssyncset.done $0x0  }
0x147: {  	[sflag:s31] =	ssyncadd.s32 $0xFFFFEC00  }
0x148: {  	_ =	sfence.sel $0x180000  }
0x149: {  	[bflag:$0x0] =	sbarrier.arrive $0xFFFF  }
0x14a: {  	_ =	strace $0x90000047  }
0x14b: {  	s0 =	stileid.u32;
	[bflag:$0x2] =	sbarrier.arrive $0xFFFF  }
0x14c: {  	p0 =	sne.s32 s0, $0x0;
	s0 =	rddreg [dreg:$0x4]  }
0x14d: {  	s0 =	sadd.s32 @!p0 $0x100000, s0  }
0x14e: {  	[sflag:s0] =	ssyncadd.tile.s32 @!p0 $0x1;
	_ =	shalt  }
.Lfunc_end2:
_tile_overlayer_lowered:
.L_overlay_start_2:
0x14f: {  	(tag) =	ssettag $0x2  }
0x150: {  	s0 =	rddreg [dreg:$0x0];
	s2 =	stileid.u32  }
0x151: {  	s1 =	rddreg [dreg:$0x1];
	p0 =	sne.s32 s2, $0x0  }
0x152: {  	s3 =	rddreg [dreg:$0x2];
	[bflag:$0x3] =	sbarrier.arrive $0xFFFF;
	s2 =	simm.s32 @!p0 $0x1C07  }
0x153: {  	[timem:s3], [sflag:s2] =	dma.local @!p0 [hbm:s0], s1  }
0x154: {  	s0 =	simm.s32 @!p0 $0x7  }
0x155: {  	_ =	swait.ge @!p0 [sflag:s0], s1  }
0x156: {  	s1 =	ssub.s32 @!p0 $0x0, s1;
	[sflag:s0] =	ssyncset.done @!p0 $0x0  }
0x157: {  	[sflag:s0] =	ssyncadd.s32 @!p0 s1  }
0x158: {  	[bflag:$0x3] =	sbarrier.arrive $0xFFFF  }
0x159: {  	_ =	shalt  }

</sc_bundles>
